<compile_context>
chip_gen: v7x
topology: tpu7x:2x2x1
jax: 0.10.2.dev20260603
libtpu: 0.0.44.dev20260713+nightly
codegen_flags: <defaults>
</compile_context>

<pallas_src>
import functools

import jax
import jax.numpy as jnp
from jax import lax
from jax.experimental import pallas as pl
from jax.experimental.pallas import tpu as pltpu
from jax.experimental.pallas import tpu_sc as plsc

BATCH = 1024
D = 26
M = 4
R = 2048
C = 16
DM = D * M
JC = (D + 1) * C
K = max(1, int(0.1 * R))

BB = 256
GRID = BATCH // BB

NC = 2
NS = 16
NW = NC * NS
RW = BATCH // NW
RV = R // 16



def _tc1_body(xr_ref, cf_ref, wf_ref, rules_ref, firing_ref, s_scr):
    @pl.when(pl.program_id(0) == 0)
    def _():
        mcol = lax.broadcasted_iota(jnp.int32, (R, DM), 1) % M
        s_scr[...] = (rules_ref[...] == mcol).astype(jnp.float32)

    wf = wf_ref[...]
    inv = 1.0 / (2.0 * wf * wf)
    dq = xr_ref[...] - cf_ref[...]
    q = dq * dq * inv
    logits = lax.dot_general(q, s_scr[...], (((1,), (1,)), ((), ())),
                             preferred_element_type=jnp.float32,
                             precision=lax.Precision.HIGHEST)
    firing_ref[...] = lax.bitcast_convert_type(jnp.exp(-logits), jnp.int32)



def _sel(vec, idx):
    lane = jnp.arange(16, dtype=jnp.int32)
    return jnp.sum(jnp.where(lane == idx, vec, 0))


def _sc_body(firing_hbm, kth_hbm, fbuf, hist, histc, cand, kbuf):
    wid = lax.axis_index("s") * NC + lax.axis_index("c")
    base = wid * RW
    pltpu.sync_copy(firing_hbm.at[pl.ds(base, RW)], fbuf)

    lane = jnp.arange(16, dtype=jnp.int32)
    zeros16 = jnp.zeros((16,), jnp.int32)
    ones16 = jnp.ones((16,), jnp.int32)

    @plsc.parallel_loop(0, R // 16, unroll=8)
    def _zero(i):
        hist[pl.ds(i * 16, 16)] = zeros16

    def row_body(i, _):
        lbase = lane * 128

        @plsc.parallel_loop(0, RV, unroll=8)
        def _hist(j):
            u = fbuf[i, pl.ds(j * 16, 16)]
            b = lax.shift_right_logical(u, 23)
            plsc.addupdate_scatter(hist, [lbase + b], ones16)

        t_vec = zeros16
        for c in range(8):
            acc = zeros16
            for l in range(16):
                off = l * 128 + c * 16
                acc = acc + hist[pl.ds(off, 16)]
                hist[pl.ds(off, 16)] = zeros16
            histc[pl.ds(c * 16, 16)] = acc
            t_vec = jnp.where(lane == 8 + c, jnp.sum(acc), t_vec)

        tr = lax.rev(t_vec, (0,))
        ct = plsc.cumsum(tr)
        a_exc = ct - tr
        i_star = plsc.all_reduce_ffs(ct >= K)
        i_s = _sel(lane, i_star)
        c_star = 7 - i_s
        cum_prev = _sel(a_exc, i_star)
        acc_star = histc[pl.ds(c_star * 16, 16)]
        racc = lax.rev(acc_star, (0,))
        pcl = plsc.cumsum(racc)
        j_star = plsc.all_reduce_ffs(cum_prev + pcl >= K)
        j_s = _sel(lane, j_star)
        e1 = c_star * 16 + 15 - j_s
        count_ge = cum_prev + _sel(pcl, j_star)
        m_e1 = _sel(racc, j_star)
        rem = K - (count_ge - m_e1)

        @plsc.parallel_loop(0, RV, unroll=4, carry=zeros16)
        def offv(j, ov):
            u = fbuf[i, pl.ds(j * 16, 16)]
            msk = lax.shift_right_logical(u, 23) == e1
            mi = msk.astype(jnp.int32)
            pos = plsc.cumsum(mi) - mi
            plsc.store_scatter(cand, [ov + pos], u, mask=msk)
            return ov + plsc.all_reduce_population_count(msk)
        m = jnp.sum(jnp.where(lane == 0, offv, 0))
        cand[pl.ds(m, 16)] = zeros16
        nv = lax.shift_right_logical(m + 15, 4)

        ebits = lax.shift_left(e1, 23)

        def bit_body(bi, t):
            t_try = jnp.bitwise_or(t, lax.shift_left(jnp.int32(1), 22 - bi))
            full = jnp.bitwise_or(ebits, t_try)

            def cnt_body(j, cv):
                u = cand[pl.ds(j * 16, 16)]
                return cv + (u >= full).astype(jnp.int32)

            cv = lax.fori_loop(0, nv, cnt_body, zeros16)
            return jnp.where(jnp.sum(cv) >= rem, t_try, t)

        t_fin = lax.fori_loop(0, 23, bit_body, jnp.int32(0))
        kf = jnp.bitwise_or(ebits, t_fin)
        plsc.store_scatter(kbuf, [jnp.full((16,), i, jnp.int32)],
                           jnp.full((16,), kf, jnp.int32),
                           mask=lane == 0)
        return 0

    lax.fori_loop(0, RW, row_body, 0)
    pltpu.sync_copy(kbuf, kth_hbm.at[pl.ds(base, RW)])


def _sc_select(firing_bits):
    mesh = plsc.VectorSubcoreMesh(core_axis_name="c", subcore_axis_name="s",
                                  num_cores=NC, num_subcores=NS)
    return pl.kernel(
        _sc_body,
        out_type=jax.ShapeDtypeStruct((BATCH,), jnp.int32),
        mesh=mesh,
        compiler_params=pltpu.CompilerParams(needs_layout_passes=False),
        scratch_types=[
            pltpu.VMEM((RW, R), jnp.int32),
            pltpu.VMEM((R,), jnp.int32),
            pltpu.VMEM((128,), jnp.int32),
            pltpu.VMEM((R + 32,), jnp.int32),
            pltpu.VMEM((RW,), jnp.int32),
        ],
    )(firing_bits)



def _tc2_body(x_ref, firing_ref, kth_ref, cons_ref,
              out_ref, norm_ref, mask_ref, cs_scr):
    @pl.when(pl.program_id(0) == 0)
    def _():
        p = (lax.broadcasted_iota(jnp.int32, (JC, C), 0) % C
             == lax.broadcasted_iota(jnp.int32, (JC, C), 1)).astype(jnp.float32)
        cs_scr[...] = lax.dot_general(cons_ref[...], p,
                                      (((1,), (0,)), ((), ())),
                                      preferred_element_type=jnp.float32,
                                      precision=lax.Precision.DEFAULT)

    fi = firing_ref[...]
    firing = lax.bitcast_convert_type(fi, jnp.float32)
    maskf = (fi >= kth_ref[...]).astype(jnp.float32)
    fm = firing * maskf
    denom = jnp.sum(fm, axis=1, keepdims=True) + 1e-9
    normv = fm / denom
    s_ext = jnp.sum(x_ref[...], axis=1, keepdims=True) + 1.0
    outv = s_ext * lax.dot_general(normv, cs_scr[...],
                                   (((1,), (0,)), ((), ())),
                                   preferred_element_type=jnp.float32,
                                   precision=lax.Precision.DEFAULT)
    out_ref[...] = outv
    norm_ref[...] = normv
    mask_ref[...] = maskf


@jax.jit
def kernel(x, centers, widths, consequents, rules):
    x = x.astype(jnp.float32)
    xr = jnp.repeat(x, M, axis=1)
    cf = centers.astype(jnp.float32).reshape(1, DM)
    wf = widths.astype(jnp.float32).reshape(1, DM)
    rules_rep = jnp.repeat(rules.astype(jnp.int32), M, axis=1)
    cons2 = consequents.astype(jnp.float32).reshape(R, JC)

    firing_bits = pl.pallas_call(
        _tc1_body,
        grid=(GRID,),
        in_specs=[
            pl.BlockSpec((BB, DM), lambda i: (i, 0)),
            pl.BlockSpec((1, DM), lambda i: (0, 0)),
            pl.BlockSpec((1, DM), lambda i: (0, 0)),
            pl.BlockSpec((R, DM), lambda i: (0, 0)),
        ],
        out_specs=pl.BlockSpec((BB, R), lambda i: (i, 0)),
        out_shape=jax.ShapeDtypeStruct((BATCH, R), jnp.int32),
        scratch_shapes=[pltpu.VMEM((R, DM), jnp.float32)],
        compiler_params=pltpu.CompilerParams(
            dimension_semantics=("arbitrary",),
        ),
    )(xr, cf, wf, rules_rep)

    kth_bits = _sc_select(firing_bits).reshape(BATCH, 1)

    out, norm, mask = pl.pallas_call(
        _tc2_body,
        grid=(GRID,),
        in_specs=[
            pl.BlockSpec((BB, D), lambda i: (i, 0)),
            pl.BlockSpec((BB, R), lambda i: (i, 0)),
            pl.BlockSpec((BB, 1), lambda i: (i, 0)),
            pl.BlockSpec((R, JC), lambda i: (0, 0)),
        ],
        out_specs=[
            pl.BlockSpec((BB, C), lambda i: (i, 0)),
            pl.BlockSpec((BB, R), lambda i: (i, 0)),
            pl.BlockSpec((BB, R), lambda i: (i, 0)),
        ],
        out_shape=[
            jax.ShapeDtypeStruct((BATCH, C), jnp.float32),
            jax.ShapeDtypeStruct((BATCH, R), jnp.float32),
            jax.ShapeDtypeStruct((BATCH, R), jnp.float32),
        ],
        scratch_shapes=[pltpu.VMEM((R, C), jnp.float32)],
        compiler_params=pltpu.CompilerParams(
            dimension_semantics=("arbitrary",),
        ),
    )(x, firing_bits, kth_bits, cons2)
    return (out, norm, mask)

# --- scband reference (transcript-rebuilt; emitter-appended) ---
"""Pipeline reference for scband-no-hybrid-anfis-38534446580294 (READ-ONLY COPY).

The authoritative reference and input builder live on the scoring server;
editing this copy changes nothing except your own understanding.
"""

import jax, jax.numpy as jnp
import numpy as np

BATCH = 1024
INPUT_DIM = 26
NUM_MFS = 4
MAX_RULES = 2048
NUM_CLASSES = 16


def setup_inputs(seed: int = 0) -> dict:
    key = jax.random.key(seed)
    k1, k2, k3, k4, k5 = jax.random.split(key, 5)
    x = jax.random.normal(k1, (BATCH, INPUT_DIM), dtype=jnp.float32)
    centers = jax.random.normal(k2, (INPUT_DIM, NUM_MFS), dtype=jnp.float32)
    widths = jax.random.uniform(k3, (INPUT_DIM, NUM_MFS), dtype=jnp.float32, minval=0.5, maxval=1.5)
    consequents = jax.random.uniform(k4, (MAX_RULES, INPUT_DIM + 1, NUM_CLASSES), dtype=jnp.float32)
    rules = jax.random.randint(k5, (MAX_RULES, INPUT_DIM), 0, NUM_MFS)
    return {"x": x, "centers": centers, "widths": widths, "consequents": consequents, "rules": rules}


def reference(x, centers, widths, consequents, rules):
    B = x.shape[0]
    D = x.shape[1]
    R = rules.shape[0]
    # Gaussian membership functions: [B, D, M]
    mfs = jnp.exp(-(x[:, :, None] - centers[None, :, :]) ** 2 / (2.0 * widths[None, :, :] ** 2))
    # gather rule memberships: rule_mfs[b, d, r] = mfs[b, d, rules[r, d]]
    idx = jnp.broadcast_to(rules.T[None, :, :], (B, D, R))
    rule_mfs = jnp.take_along_axis(mfs, idx, axis=2)
    firing = jnp.prod(rule_mfs, axis=1)  # [B, R]
    K = max(1, int(0.1 * R))
    _, top_idx = jax.lax.top_k(firing, K)
    mask = jnp.zeros_like(firing).at[jnp.arange(B)[:, None], top_idx].set(1.0)
    fm = firing * mask
    norm = fm / (jnp.sum(fm, axis=1, keepdims=True) + 1e-9)
    x_ext = jnp.concatenate([x, jnp.ones((B, 1), dtype=x.dtype)], axis=1)
    # faithful to torch: einsum('bi,rjc->brc') sums over both i and j
    rule_outs = jnp.einsum('bi,rjc->brc', x_ext, consequents)
    out = jnp.einsum('br,brc->bc', norm, rule_outs)
    return (out, norm, mask)

if __name__ == "__main__":
    import jax
    _d = setup_inputs()
    print(jax.jit(kernel)(*tuple(_d.values())))

</pallas_src>

<mosaic_0001>
#map = affine_map<(d0, d1) -> (0, 0)>
#map1 = affine_map<(d0, d1) -> (0)>
module attributes {stable_mosaic.version = 14 : i64} {
  func.func @_sc_body(%arg0: i32, %arg1: i32, %arg2: memref<1024x2048xi32, #tpu.memory_space<hbm>>, %arg3: memref<1024xi32, #tpu.memory_space<hbm>>, %arg4: memref<32x2048xi32, #tpu.memory_space<vmem>>, %arg5: memref<2048xi32, #tpu.memory_space<vmem>>, %arg6: memref<128xi32, #tpu.memory_space<vmem>>, %arg7: memref<2080xi32, #tpu.memory_space<vmem>>, %arg8: memref<32xi32, #tpu.memory_space<vmem>>) attributes {dimension_semantics = [#tpu.dimension_semantics<core_parallel>, #tpu.dimension_semantics<subcore_parallel>], iteration_bounds = array<i64: 2, 16>, scalar_prefetch = 0 : i64, scratch_operands = 5 : i64, tpu.core_type = #tpu.core_type<sc_vector_subcore>, window_params = [{transform_indices = #map}, {transform_indices = #map1}]} {
    %mul3A = arith.constant 2 : i32
    %mul3A_0 = arith.muli %arg1, %mul3A : i32
    %add3A = arith.addi %mul3A_0, %arg0 : i32
    %mul3A_1 = arith.constant 32 : i32
    %mul3A_2 = arith.muli %add3A, %mul3A_1 : i32
    "tpu.region"() ({
      %run_scoped3A = tpu.sem_alloc : memref<!tpu.dma_semaphore, #tpu.memory_space<semaphore_mem>>
      %dma_start3A = arith.constant 0 : i32
      %dma_start3A_14 = tpu.memref_slice %arg2[%mul3A_2, %dma_start3A] : memref<1024x2048xi32, #tpu.memory_space<hbm>> -> memref<32x2048xi32, #tpu.memory_space<hbm>>
      %dma_start3A_15 = arith.constant 0 : i32
      %dma_start3A_16 = tpu.memref_slice %arg2[%mul3A_2, %dma_start3A_15] : memref<1024x2048xi32, #tpu.memory_space<hbm>> -> memref<32x2048xi32, #tpu.memory_space<hbm>>
      tpu.enqueue_dma source(%dma_start3A_16 : memref<32x2048xi32, #tpu.memory_space<hbm>>) target(%arg4 : memref<32x2048xi32, #tpu.memory_space<vmem>>) target_semaphore(%run_scoped3A : memref<!tpu.dma_semaphore, #tpu.memory_space<semaphore_mem>>)
      %dma_wait3A = arith.constant 0 : i32
      %dma_wait3A_17 = tpu.memref_slice %arg2[%mul3A_2, %dma_wait3A] : memref<1024x2048xi32, #tpu.memory_space<hbm>> -> memref<32x2048xi32, #tpu.memory_space<hbm>>
      %dma_wait3A_18 = arith.constant 0 : i32
      %dma_wait3A_19 = tpu.memref_slice %arg2[%mul3A_2, %dma_wait3A_18] : memref<1024x2048xi32, #tpu.memory_space<hbm>> -> memref<32x2048xi32, #tpu.memory_space<hbm>>
      tpu.wait_dma2 semaphore(%run_scoped3A : memref<!tpu.dma_semaphore, #tpu.memory_space<semaphore_mem>>) src(%dma_wait3A_19 : memref<32x2048xi32, #tpu.memory_space<hbm>>) dst(%arg4 : memref<32x2048xi32, #tpu.memory_space<vmem>>)
      tpu.yield
    }) : () -> ()
    %iota3A = tpu.iota {dimensions = array<i32: 0>} : vector<16xi32>
    %broadcast_in_dim3A = arith.constant 0 : i32
    %broadcast_in_dim3A_3 = vector.broadcast %broadcast_in_dim3A : i32 to vector<16xi32>
    %broadcast_in_dim3A_4 = arith.constant 1 : i32
    %broadcast_in_dim3A_5 = vector.broadcast %broadcast_in_dim3A_4 : i32 to vector<16xi32>
    %parallel_loop3A = arith.constant 0 : i32
    %parallel_loop3A_6 = arith.constant 128 : i32
    %parallel_loop3A_7 = arith.constant 1 : i32
    scf.for %parallel_loop3A_14 = %parallel_loop3A to %parallel_loop3A_6 step %parallel_loop3A_7  : i32 {
      %parallel_loop3A_15 = arith.constant 16 : i32
      %parallel_loop3A_16 = arith.muli %parallel_loop3A_14, %parallel_loop3A_15 : i32
      %parallel_loop3A_17 = arith.index_cast %parallel_loop3A_16 : i32 to index
      %parallel_loop3A_18 = tpu.vector_load %arg5[%parallel_loop3A_17] {strides = array<i32>} : memref<2048xi32, #tpu.memory_space<vmem>>, vector<16xi32>,
      tpu.vector_store %arg5[%parallel_loop3A_17], %broadcast_in_dim3A_3 {strides = array<i32>} : memref<2048xi32, #tpu.memory_space<vmem>>, vector<16xi32>,
    } {sc.loop_unroll_factor = 8 : i64, sc.parallel_access}
    %scan3A = arith.constant 0 : i32
    %scan3A_8 = arith.constant 0 : i32
    %scan3A_9 = arith.constant 32 : i32
    %scan3A_10 = arith.addi %scan3A_8, %scan3A_9 : i32
    %scan3A_11 = arith.constant 1 : i32
    %scan3A_12 = scf.for %scan3A_14 = %scan3A_8 to %scan3A_10 step %scan3A_11 iter_args(%scan3A_15 = %scan3A) -> (i32)  : i32 {
      %mul3A_16 = arith.constant 128 : i32
      %mul3A_17 = vector.broadcast %mul3A_16 : i32 to vector<16xi32>
      %mul3A_18 = arith.muli %iota3A, %mul3A_17 : vector<16xi32>
      %parallel_loop3A_19 = arith.constant 0 : i32
      %parallel_loop3A_20 = arith.constant 128 : i32
      %parallel_loop3A_21 = arith.constant 1 : i32
      scf.for %parallel_loop3A_859 = %parallel_loop3A_19 to %parallel_loop3A_20 step %parallel_loop3A_21  : i32 {
        %parallel_loop3A_860 = arith.constant 16 : i32
        %parallel_loop3A_861 = arith.muli %parallel_loop3A_859, %parallel_loop3A_860 : i32
        %parallel_loop3A_862 = arith.index_cast %scan3A_14 : i32 to index
        %parallel_loop3A_863 = arith.index_cast %parallel_loop3A_861 : i32 to index
        %parallel_loop3A_864 = tpu.vector_load %arg4[%parallel_loop3A_862, %parallel_loop3A_863] {strides = array<i32>} : memref<32x2048xi32, #tpu.memory_space<vmem>>, vector<16xi32>,
        %parallel_loop3A_865 = arith.constant 23 : i32
        %parallel_loop3A_866 = vector.broadcast %parallel_loop3A_865 : i32 to vector<16xi32>
        %parallel_loop3A_867 = arith.shrui %parallel_loop3A_864, %parallel_loop3A_866 : vector<16xi32>
        %parallel_loop3A_868 = arith.addi %mul3A_18, %parallel_loop3A_867 : vector<16xi32>
        tpu.vector_store_idx %arg5[%parallel_loop3A_868], %broadcast_in_dim3A_5 {add = true} : memref<2048xi32, #tpu.memory_space<vmem>>[vector<16xi32>], vector<16xi32>,
      } {sc.loop_unroll_factor = 8 : i64, sc.parallel_access}
      %get3A = arith.constant 0 : index
      %get3A_22 = tpu.vector_load %arg5[%get3A] {strides = array<i32>} : memref<2048xi32, #tpu.memory_space<vmem>>, vector<16xi32>,
      %add3A_23 = arith.addi %broadcast_in_dim3A_3, %get3A_22 : vector<16xi32>
      %swap3A = arith.constant 0 : index
      %swap3A_24 = tpu.vector_load %arg5[%swap3A] {strides = array<i32>} : memref<2048xi32, #tpu.memory_space<vmem>>, vector<16xi32>,
      tpu.vector_store %arg5[%swap3A], %broadcast_in_dim3A_3 {strides = array<i32>} : memref<2048xi32, #tpu.memory_space<vmem>>, vector<16xi32>,
      %get3A_25 = arith.constant 128 : index
      %get3A_26 = tpu.vector_load %arg5[%get3A_25] {strides = array<i32>} : memref<2048xi32, #tpu.memory_space<vmem>>, vector<16xi32>,
      %add3A_27 = arith.addi %add3A_23, %get3A_26 : vector<16xi32>
      %swap3A_28 = arith.constant 128 : index
      %swap3A_29 = tpu.vector_load %arg5[%swap3A_28] {strides = array<i32>} : memref<2048xi32, #tpu.memory_space<vmem>>, vector<16xi32>,
      tpu.vector_store %arg5[%swap3A_28], %broadcast_in_dim3A_3 {strides = array<i32>} : memref<2048xi32, #tpu.memory_space<vmem>>, vector<16xi32>,
      %get3A_30 = arith.constant 256 : index
      %get3A_31 = tpu.vector_load %arg5[%get3A_30] {strides = array<i32>} : memref<2048xi32, #tpu.memory_space<vmem>>, vector<16xi32>,
      %add3A_32 = arith.addi %add3A_27, %get3A_31 : vector<16xi32>
      %swap3A_33 = arith.constant 256 : index
      %swap3A_34 = tpu.vector_load %arg5[%swap3A_33] {strides = array<i32>} : memref<2048xi32, #tpu.memory_space<vmem>>, vector<16xi32>,
      tpu.vector_store %arg5[%swap3A_33], %broadcast_in_dim3A_3 {strides = array<i32>} : memref<2048xi32, #tpu.memory_space<vmem>>, vector<16xi32>,
      %get3A_35 = arith.constant 384 : index
      %get3A_36 = tpu.vector_load %arg5[%get3A_35] {strides = array<i32>} : memref<2048xi32, #tpu.memory_space<vmem>>, vector<16xi32>,
      %add3A_37 = arith.addi %add3A_32, %get3A_36 : vector<16xi32>
      %swap3A_38 = arith.constant 384 : index
      %swap3A_39 = tpu.vector_load %arg5[%swap3A_38] {strides = array<i32>} : memref<2048xi32, #tpu.memory_space<vmem>>, vector<16xi32>,
      tpu.vector_store %arg5[%swap3A_38], %broadcast_in_dim3A_3 {strides = array<i32>} : memref<2048xi32, #tpu.memory_space<vmem>>, vector<16xi32>,
      %get3A_40 = arith.constant 512 : index
      %get3A_41 = tpu.vector_load %arg5[%get3A_40] {strides = array<i32>} : memref<2048xi32, #tpu.memory_space<vmem>>, vector<16xi32>,
      %add3A_42 = arith.addi %add3A_37, %get3A_41 : vector<16xi32>
      %swap3A_43 = arith.constant 512 : index
      %swap3A_44 = tpu.vector_load %arg5[%swap3A_43] {strides = array<i32>} : memref<2048xi32, #tpu.memory_space<vmem>>, vector<16xi32>,
      tpu.vector_store %arg5[%swap3A_43], %broadcast_in_dim3A_3 {strides = array<i32>} : memref<2048xi32, #tpu.memory_space<vmem>>, vector<16xi32>,
      %get3A_45 = arith.constant 640 : index
      %get3A_46 = tpu.vector_load %arg5[%get3A_45] {strides = array<i32>} : memref<2048xi32, #tpu.memory_space<vmem>>, vector<16xi32>,
      %add3A_47 = arith.addi %add3A_42, %get3A_46 : vector<16xi32>
      %swap3A_48 = arith.constant 640 : index
      %swap3A_49 = tpu.vector_load %arg5[%swap3A_48] {strides = array<i32>} : memref<2048xi32, #tpu.memory_space<vmem>>, vector<16xi32>,
      tpu.vector_store %arg5[%swap3A_48], %broadcast_in_dim3A_3 {strides = array<i32>} : memref<2048xi32, #tpu.memory_space<vmem>>, vector<16xi32>,
      %get3A_50 = arith.constant 768 : index
      %get3A_51 = tpu.vector_load %arg5[%get3A_50] {strides = array<i32>} : memref<2048xi32, #tpu.memory_space<vmem>>, vector<16xi32>,
      %add3A_52 = arith.addi %add3A_47, %get3A_51 : vector<16xi32>
      %swap3A_53 = arith.constant 768 : index
      %swap3A_54 = tpu.vector_load %arg5[%swap3A_53] {strides = array<i32>} : memref<2048xi32, #tpu.memory_space<vmem>>, vector<16xi32>,
      tpu.vector_store %arg5[%swap3A_53], %broadcast_in_dim3A_3 {strides = array<i32>} : memref<2048xi32, #tpu.memory_space<vmem>>, vector<16xi32>,
      %get3A_55 = arith.constant 896 : index
      %get3A_56 = tpu.vector_load %arg5[%get3A_55] {strides = array<i32>} : memref<2048xi32, #tpu.memory_space<vmem>>, vector<16xi32>,
      %add3A_57 = arith.addi %add3A_52, %get3A_56 : vector<16xi32>
      %swap3A_58 = arith.constant 896 : index
      %swap3A_59 = tpu.vector_load %arg5[%swap3A_58] {strides = array<i32>} : memref<2048xi32, #tpu.memory_space<vmem>>, vector<16xi32>,
      tpu.vector_store %arg5[%swap3A_58], %broadcast_in_dim3A_3 {strides = array<i32>} : memref<2048xi32, #tpu.memory_space<vmem>>, vector<16xi32>,
      %get3A_60 = arith.constant 1024 : index
      %get3A_61 = tpu.vector_load %arg5[%get3A_60] {strides = array<i32>} : memref<2048xi32, #tpu.memory_space<vmem>>, vector<16xi32>,
      %add3A_62 = arith.addi %add3A_57, %get3A_61 : vector<16xi32>
      %swap3A_63 = arith.constant 1024 : index
      %swap3A_64 = tpu.vector_load %arg5[%swap3A_63] {strides = array<i32>} : memref<2048xi32, #tpu.memory_space<vmem>>, vector<16xi32>,
      tpu.vector_store %arg5[%swap3A_63], %broadcast_in_dim3A_3 {strides = array<i32>} : memref<2048xi32, #tpu.memory_space<vmem>>, vector<16xi32>,
      %get3A_65 = arith.constant 1152 : index
      %get3A_66 = tpu.vector_load %arg5[%get3A_65] {strides = array<i32>} : memref<2048xi32, #tpu.memory_space<vmem>>, vector<16xi32>,
      %add3A_67 = arith.addi %add3A_62, %get3A_66 : vector<16xi32>
      %swap3A_68 = arith.constant 1152 : index
      %swap3A_69 = tpu.vector_load %arg5[%swap3A_68] {strides = array<i32>} : memref<2048xi32, #tpu.memory_space<vmem>>, vector<16xi32>,
      tpu.vector_store %arg5[%swap3A_68], %broadcast_in_dim3A_3 {strides = array<i32>} : memref<2048xi32, #tpu.memory_space<vmem>>, vector<16xi32>,
      %get3A_70 = arith.constant 1280 : index
      %get3A_71 = tpu.vector_load %arg5[%get3A_70] {strides = array<i32>} : memref<2048xi32, #tpu.memory_space<vmem>>, vector<16xi32>,
      %add3A_72 = arith.addi %add3A_67, %get3A_71 : vector<16xi32>
      %swap3A_73 = arith.constant 1280 : index
      %swap3A_74 = tpu.vector_load %arg5[%swap3A_73] {strides = array<i32>} : memref<2048xi32, #tpu.memory_space<vmem>>, vector<16xi32>,
      tpu.vector_store %arg5[%swap3A_73], %broadcast_in_dim3A_3 {strides = array<i32>} : memref<2048xi32, #tpu.memory_space<vmem>>, vector<16xi32>,
      %get3A_75 = arith.constant 1408 : index
      %get3A_76 = tpu.vector_load %arg5[%get3A_75] {strides = array<i32>} : memref<2048xi32, #tpu.memory_space<vmem>>, vector<16xi32>,
      %add3A_77 = arith.addi %add3A_72, %get3A_76 : vector<16xi32>
      %swap3A_78 = arith.constant 1408 : index
      %swap3A_79 = tpu.vector_load %arg5[%swap3A_78] {strides = array<i32>} : memref<2048xi32, #tpu.memory_space<vmem>>, vector<16xi32>,
      tpu.vector_store %arg5[%swap3A_78], %broadcast_in_dim3A_3 {strides = array<i32>} : memref<2048xi32, #tpu.memory_space<vmem>>, vector<16xi32>,
      %get3A_80 = arith.constant 1536 : index
      %get3A_81 = tpu.vector_load %arg5[%get3A_80] {strides = array<i32>} : memref<2048xi32, #tpu.memory_space<vmem>>, vector<16xi32>,
      %add3A_82 = arith.addi %add3A_77, %get3A_81 : vector<16xi32>
      %swap3A_83 = arith.constant 1536 : index
      %swap3A_84 = tpu.vector_load %arg5[%swap3A_83] {strides = array<i32>} : memref<2048xi32, #tpu.memory_space<vmem>>, vector<16xi32>,
      tpu.vector_store %arg5[%swap3A_83], %broadcast_in_dim3A_3 {strides = array<i32>} : memref<2048xi32, #tpu.memory_space<vmem>>, vector<16xi32>,
      %get3A_85 = arith.constant 1664 : index
      %get3A_86 = tpu.vector_load %arg5[%get3A_85] {strides = array<i32>} : memref<2048xi32, #tpu.memory_space<vmem>>, vector<16xi32>,
      %add3A_87 = arith.addi %add3A_82, %get3A_86 : vector<16xi32>
      %swap3A_88 = arith.constant 1664 : index
      %swap3A_89 = tpu.vector_load %arg5[%swap3A_88] {strides = array<i32>} : memref<2048xi32, #tpu.memory_space<vmem>>, vector<16xi32>,
      tpu.vector_store %arg5[%swap3A_88], %broadcast_in_dim3A_3 {strides = array<i32>} : memref<2048xi32, #tpu.memory_space<vmem>>, vector<16xi32>,
      %get3A_90 = arith.constant 1792 : index
      %get3A_91 = tpu.vector_load %arg5[%get3A_90] {strides = array<i32>} : memref<2048xi32, #tpu.memory_space<vmem>>, vector<16xi32>,
      %add3A_92 = arith.addi %add3A_87, %get3A_91 : vector<16xi32>
      %swap3A_93 = arith.constant 1792 : index
      %swap3A_94 = tpu.vector_load %arg5[%swap3A_93] {strides = array<i32>} : memref<2048xi32, #tpu.memory_space<vmem>>, vector<16xi32>,
      tpu.vector_store %arg5[%swap3A_93], %broadcast_in_dim3A_3 {strides = array<i32>} : memref<2048xi32, #tpu.memory_space<vmem>>, vector<16xi32>,
      %get3A_95 = arith.constant 1920 : index
      %get3A_96 = tpu.vector_load %arg5[%get3A_95] {strides = array<i32>} : memref<2048xi32, #tpu.memory_space<vmem>>, vector<16xi32>,
      %add3A_97 = arith.addi %add3A_92, %get3A_96 : vector<16xi32>
      %swap3A_98 = arith.constant 1920 : index
      %swap3A_99 = tpu.vector_load %arg5[%swap3A_98] {strides = array<i32>} : memref<2048xi32, #tpu.memory_space<vmem>>, vector<16xi32>,
      tpu.vector_store %arg5[%swap3A_98], %broadcast_in_dim3A_3 {strides = array<i32>} : memref<2048xi32, #tpu.memory_space<vmem>>, vector<16xi32>,
      %swap3A_100 = arith.constant 0 : index
      %swap3A_101 = tpu.vector_load %arg6[%swap3A_100] {strides = array<i32>} : memref<128xi32, #tpu.memory_space<vmem>>, vector<16xi32>,
      tpu.vector_store %arg6[%swap3A_100], %add3A_97 {strides = array<i32>} : memref<128xi32, #tpu.memory_space<vmem>>, vector<16xi32>,
      %eq3A = arith.constant 8 : i32
      %eq3A_102 = vector.broadcast %eq3A : i32 to vector<16xi32>
      %eq3A_103 = arith.cmpi eq, %iota3A, %eq3A_102 : vector<16xi32>
      %reduce_sum3A = arith.constant true
      %reduce_sum3A_104 = vector.broadcast %reduce_sum3A : i1 to vector<16xi1>
      %reduce_sum3A_105 = tpu.scan <sum>, %add3A_97 masked %reduce_sum3A_104 : vector<16xi32>, vector<16xi1> -> vector<16xi32>
      %reduce_sum3A_106 = vector.extract %reduce_sum3A_105[15] : i32 from vector<16xi32>
      %broadcast_in_dim3A_107 = vector.broadcast %reduce_sum3A_106 : i32 to vector<16xi32>
      %select_n3A = arith.select %eq3A_103, %broadcast_in_dim3A_107, %broadcast_in_dim3A_3 : vector<16xi1>, vector<16xi32>
      %get3A_108 = arith.constant 16 : index
      %get3A_109 = tpu.vector_load %arg5[%get3A_108] {strides = array<i32>} : memref<2048xi32, #tpu.memory_space<vmem>>, vector<16xi32>,
      %add3A_110 = arith.addi %broadcast_in_dim3A_3, %get3A_109 : vector<16xi32>
      %swap3A_111 = arith.constant 16 : index
      %swap3A_112 = tpu.vector_load %arg5[%swap3A_111] {strides = array<i32>} : memref<2048xi32, #tpu.memory_space<vmem>>, vector<16xi32>,
      tpu.vector_store %arg5[%swap3A_111], %broadcast_in_dim3A_3 {strides = array<i32>} : memref<2048xi32, #tpu.memory_space<vmem>>, vector<16xi32>,
      %get3A_113 = arith.constant 144 : index
      %get3A_114 = tpu.vector_load %arg5[%get3A_113] {strides = array<i32>} : memref<2048xi32, #tpu.memory_space<vmem>>, vector<16xi32>,
      %add3A_115 = arith.addi %add3A_110, %get3A_114 : vector<16xi32>
      %swap3A_116 = arith.constant 144 : index
      %swap3A_117 = tpu.vector_load %arg5[%swap3A_116] {strides = array<i32>} : memref<2048xi32, #tpu.memory_space<vmem>>, vector<16xi32>,
      tpu.vector_store %arg5[%swap3A_116], %broadcast_in_dim3A_3 {strides = array<i32>} : memref<2048xi32, #tpu.memory_space<vmem>>, vector<16xi32>,
      %get3A_118 = arith.constant 272 : index
      %get3A_119 = tpu.vector_load %arg5[%get3A_118] {strides = array<i32>} : memref<2048xi32, #tpu.memory_space<vmem>>, vector<16xi32>,
      %add3A_120 = arith.addi %add3A_115, %get3A_119 : vector<16xi32>
      %swap3A_121 = arith.constant 272 : index
      %swap3A_122 = tpu.vector_load %arg5[%swap3A_121] {strides = array<i32>} : memref<2048xi32, #tpu.memory_space<vmem>>, vector<16xi32>,
      tpu.vector_store %arg5[%swap3A_121], %broadcast_in_dim3A_3 {strides = array<i32>} : memref<2048xi32, #tpu.memory_space<vmem>>, vector<16xi32>,
      %get3A_123 = arith.constant 400 : index
      %get3A_124 = tpu.vector_load %arg5[%get3A_123] {strides = array<i32>} : memref<2048xi32, #tpu.memory_space<vmem>>, vector<16xi32>,
      %add3A_125 = arith.addi %add3A_120, %get3A_124 : vector<16xi32>
      %swap3A_126 = arith.constant 400 : index
      %swap3A_127 = tpu.vector_load %arg5[%swap3A_126] {strides = array<i32>} : memref<2048xi32, #tpu.memory_space<vmem>>, vector<16xi32>,
      tpu.vector_store %arg5[%swap3A_126], %broadcast_in_dim3A_3 {strides = array<i32>} : memref<2048xi32, #tpu.memory_space<vmem>>, vector<16xi32>,
      %get3A_128 = arith.constant 528 : index
      %get3A_129 = tpu.vector_load %arg5[%get3A_128] {strides = array<i32>} : memref<2048xi32, #tpu.memory_space<vmem>>, vector<16xi32>,
      %add3A_130 = arith.addi %add3A_125, %get3A_129 : vector<16xi32>
      %swap3A_131 = arith.constant 528 : index
      %swap3A_132 = tpu.vector_load %arg5[%swap3A_131] {strides = array<i32>} : memref<2048xi32, #tpu.memory_space<vmem>>, vector<16xi32>,
      tpu.vector_store %arg5[%swap3A_131], %broadcast_in_dim3A_3 {strides = array<i32>} : memref<2048xi32, #tpu.memory_space<vmem>>, vector<16xi32>,
      %get3A_133 = arith.constant 656 : index
      %get3A_134 = tpu.vector_load %arg5[%get3A_133] {strides = array<i32>} : memref<2048xi32, #tpu.memory_space<vmem>>, vector<16xi32>,
      %add3A_135 = arith.addi %add3A_130, %get3A_134 : vector<16xi32>
      %swap3A_136 = arith.constant 656 : index
      %swap3A_137 = tpu.vector_load %arg5[%swap3A_136] {strides = array<i32>} : memref<2048xi32, #tpu.memory_space<vmem>>, vector<16xi32>,
      tpu.vector_store %arg5[%swap3A_136], %broadcast_in_dim3A_3 {strides = array<i32>} : memref<2048xi32, #tpu.memory_space<vmem>>, vector<16xi32>,
      %get3A_138 = arith.constant 784 : index
      %get3A_139 = tpu.vector_load %arg5[%get3A_138] {strides = array<i32>} : memref<2048xi32, #tpu.memory_space<vmem>>, vector<16xi32>,
      %add3A_140 = arith.addi %add3A_135, %get3A_139 : vector<16xi32>
      %swap3A_141 = arith.constant 784 : index
      %swap3A_142 = tpu.vector_load %arg5[%swap3A_141] {strides = array<i32>} : memref<2048xi32, #tpu.memory_space<vmem>>, vector<16xi32>,
      tpu.vector_store %arg5[%swap3A_141], %broadcast_in_dim3A_3 {strides = array<i32>} : memref<2048xi32, #tpu.memory_space<vmem>>, vector<16xi32>,
      %get3A_143 = arith.constant 912 : index
      %get3A_144 = tpu.vector_load %arg5[%get3A_143] {strides = array<i32>} : memref<2048xi32, #tpu.memory_space<vmem>>, vector<16xi32>,
      %add3A_145 = arith.addi %add3A_140, %get3A_144 : vector<16xi32>
      %swap3A_146 = arith.constant 912 : index
      %swap3A_147 = tpu.vector_load %arg5[%swap3A_146] {strides = array<i32>} : memref<2048xi32, #tpu.memory_space<vmem>>, vector<16xi32>,
      tpu.vector_store %arg5[%swap3A_146], %broadcast_in_dim3A_3 {strides = array<i32>} : memref<2048xi32, #tpu.memory_space<vmem>>, vector<16xi32>,
      %get3A_148 = arith.constant 1040 : index
      %get3A_149 = tpu.vector_load %arg5[%get3A_148] {strides = array<i32>} : memref<2048xi32, #tpu.memory_space<vmem>>, vector<16xi32>,
      %add3A_150 = arith.addi %add3A_145, %get3A_149 : vector<16xi32>
      %swap3A_151 = arith.constant 1040 : index
      %swap3A_152 = tpu.vector_load %arg5[%swap3A_151] {strides = array<i32>} : memref<2048xi32, #tpu.memory_space<vmem>>, vector<16xi32>,
      tpu.vector_store %arg5[%swap3A_151], %broadcast_in_dim3A_3 {strides = array<i32>} : memref<2048xi32, #tpu.memory_space<vmem>>, vector<16xi32>,
      %get3A_153 = arith.constant 1168 : index
      %get3A_154 = tpu.vector_load %arg5[%get3A_153] {strides = array<i32>} : memref<2048xi32, #tpu.memory_space<vmem>>, vector<16xi32>,
      %add3A_155 = arith.addi %add3A_150, %get3A_154 : vector<16xi32>
      %swap3A_156 = arith.constant 1168 : index
      %swap3A_157 = tpu.vector_load %arg5[%swap3A_156] {strides = array<i32>} : memref<2048xi32, #tpu.memory_space<vmem>>, vector<16xi32>,
      tpu.vector_store %arg5[%swap3A_156], %broadcast_in_dim3A_3 {strides = array<i32>} : memref<2048xi32, #tpu.memory_space<vmem>>, vector<16xi32>,
      %get3A_158 = arith.constant 1296 : index
      %get3A_159 = tpu.vector_load %arg5[%get3A_158] {strides = array<i32>} : memref<2048xi32, #tpu.memory_space<vmem>>, vector<16xi32>,
      %add3A_160 = arith.addi %add3A_155, %get3A_159 : vector<16xi32>
      %swap3A_161 = arith.constant 1296 : index
      %swap3A_162 = tpu.vector_load %arg5[%swap3A_161] {strides = array<i32>} : memref<2048xi32, #tpu.memory_space<vmem>>, vector<16xi32>,
      tpu.vector_store %arg5[%swap3A_161], %broadcast_in_dim3A_3 {strides = array<i32>} : memref<2048xi32, #tpu.memory_space<vmem>>, vector<16xi32>,
      %get3A_163 = arith.constant 1424 : index
      %get3A_164 = tpu.vector_load %arg5[%get3A_163] {strides = array<i32>} : memref<2048xi32, #tpu.memory_space<vmem>>, vector<16xi32>,
      %add3A_165 = arith.addi %add3A_160, %get3A_164 : vector<16xi32>
      %swap3A_166 = arith.constant 1424 : index
      %swap3A_167 = tpu.vector_load %arg5[%swap3A_166] {strides = array<i32>} : memref<2048xi32, #tpu.memory_space<vmem>>, vector<16xi32>,
      tpu.vector_store %arg5[%swap3A_166], %broadcast_in_dim3A_3 {strides = array<i32>} : memref<2048xi32, #tpu.memory_space<vmem>>, vector<16xi32>,
      %get3A_168 = arith.constant 1552 : index
      %get3A_169 = tpu.vector_load %arg5[%get3A_168] {strides = array<i32>} : memref<2048xi32, #tpu.memory_space<vmem>>, vector<16xi32>,
      %add3A_170 = arith.addi %add3A_165, %get3A_169 : vector<16xi32>
      %swap3A_171 = arith.constant 1552 : index
      %swap3A_172 = tpu.vector_load %arg5[%swap3A_171] {strides = array<i32>} : memref<2048xi32, #tpu.memory_space<vmem>>, vector<16xi32>,
      tpu.vector_store %arg5[%swap3A_171], %broadcast_in_dim3A_3 {strides = array<i32>} : memref<2048xi32, #tpu.memory_space<vmem>>, vector<16xi32>,
      %get3A_173 = arith.constant 1680 : index
      %get3A_174 = tpu.vector_load %arg5[%get3A_173] {strides = array<i32>} : memref<2048xi32, #tpu.memory_space<vmem>>, vector<16xi32>,
      %add3A_175 = arith.addi %add3A_170, %get3A_174 : vector<16xi32>
      %swap3A_176 = arith.constant 1680 : index
      %swap3A_177 = tpu.vector_load %arg5[%swap3A_176] {strides = array<i32>} : memref<2048xi32, #tpu.memory_space<vmem>>, vector<16xi32>,
      tpu.vector_store %arg5[%swap3A_176], %broadcast_in_dim3A_3 {strides = array<i32>} : memref<2048xi32, #tpu.memory_space<vmem>>, vector<16xi32>,
      %get3A_178 = arith.constant 1808 : index
      %get3A_179 = tpu.vector_load %arg5[%get3A_178] {strides = array<i32>} : memref<2048xi32, #tpu.memory_space<vmem>>, vector<16xi32>,
      %add3A_180 = arith.addi %add3A_175, %get3A_179 : vector<16xi32>
      %swap3A_181 = arith.constant 1808 : index
      %swap3A_182 = tpu.vector_load %arg5[%swap3A_181] {strides = array<i32>} : memref<2048xi32, #tpu.memory_space<vmem>>, vector<16xi32>,
      tpu.vector_store %arg5[%swap3A_181], %broadcast_in_dim3A_3 {strides = array<i32>} : memref<2048xi32, #tpu.memory_space<vmem>>, vector<16xi32>,
      %get3A_183 = arith.constant 1936 : index
      %get3A_184 = tpu.vector_load %arg5[%get3A_183] {strides = array<i32>} : memref<2048xi32, #tpu.memory_space<vmem>>, vector<16xi32>,
      %add3A_185 = arith.addi %add3A_180, %get3A_184 : vector<16xi32>
      %swap3A_186 = arith.constant 1936 : index
      %swap3A_187 = tpu.vector_load %arg5[%swap3A_186] {strides = array<i32>} : memref<2048xi32, #tpu.memory_space<vmem>>, vector<16xi32>,
      tpu.vector_store %arg5[%swap3A_186], %broadcast_in_dim3A_3 {strides = array<i32>} : memref<2048xi32, #tpu.memory_space<vmem>>, vector<16xi32>,
      %swap3A_188 = arith.constant 16 : index
      %swap3A_189 = tpu.vector_load %arg6[%swap3A_188] {strides = array<i32>} : memref<128xi32, #tpu.memory_space<vmem>>, vector<16xi32>,
      tpu.vector_store %arg6[%swap3A_188], %add3A_185 {strides = array<i32>} : memref<128xi32, #tpu.memory_space<vmem>>, vector<16xi32>,
      %eq3A_190 = arith.constant 9 : i32
      %eq3A_191 = vector.broadcast %eq3A_190 : i32 to vector<16xi32>
      %eq3A_192 = arith.cmpi eq, %iota3A, %eq3A_191 : vector<16xi32>
      %reduce_sum3A_193 = arith.constant true
      %reduce_sum3A_194 = vector.broadcast %reduce_sum3A_193 : i1 to vector<16xi1>
      %reduce_sum3A_195 = tpu.scan <sum>, %add3A_185 masked %reduce_sum3A_194 : vector<16xi32>, vector<16xi1> -> vector<16xi32>
      %reduce_sum3A_196 = vector.extract %reduce_sum3A_195[15] : i32 from vector<16xi32>
      %broadcast_in_dim3A_197 = vector.broadcast %reduce_sum3A_196 : i32 to vector<16xi32>
      %select_n3A_198 = arith.select %eq3A_192, %broadcast_in_dim3A_197, %select_n3A : vector<16xi1>, vector<16xi32>
      %get3A_199 = arith.constant 32 : index
      %get3A_200 = tpu.vector_load %arg5[%get3A_199] {strides = array<i32>} : memref<2048xi32, #tpu.memory_space<vmem>>, vector<16xi32>,
      %add3A_201 = arith.addi %broadcast_in_dim3A_3, %get3A_200 : vector<16xi32>
      %swap3A_202 = arith.constant 32 : index
      %swap3A_203 = tpu.vector_load %arg5[%swap3A_202] {strides = array<i32>} : memref<2048xi32, #tpu.memory_space<vmem>>, vector<16xi32>,
      tpu.vector_store %arg5[%swap3A_202], %broadcast_in_dim3A_3 {strides = array<i32>} : memref<2048xi32, #tpu.memory_space<vmem>>, vector<16xi32>,
      %get3A_204 = arith.constant 160 : index
      %get3A_205 = tpu.vector_load %arg5[%get3A_204] {strides = array<i32>} : memref<2048xi32, #tpu.memory_space<vmem>>, vector<16xi32>,
      %add3A_206 = arith.addi %add3A_201, %get3A_205 : vector<16xi32>
      %swap3A_207 = arith.constant 160 : index
      %swap3A_208 = tpu.vector_load %arg5[%swap3A_207] {strides = array<i32>} : memref<2048xi32, #tpu.memory_space<vmem>>, vector<16xi32>,
      tpu.vector_store %arg5[%swap3A_207], %broadcast_in_dim3A_3 {strides = array<i32>} : memref<2048xi32, #tpu.memory_space<vmem>>, vector<16xi32>,
      %get3A_209 = arith.constant 288 : index
      %get3A_210 = tpu.vector_load %arg5[%get3A_209] {strides = array<i32>} : memref<2048xi32, #tpu.memory_space<vmem>>, vector<16xi32>,
      %add3A_211 = arith.addi %add3A_206, %get3A_210 : vector<16xi32>
      %swap3A_212 = arith.constant 288 : index
      %swap3A_213 = tpu.vector_load %arg5[%swap3A_212] {strides = array<i32>} : memref<2048xi32, #tpu.memory_space<vmem>>, vector<16xi32>,
      tpu.vector_store %arg5[%swap3A_212], %broadcast_in_dim3A_3 {strides = array<i32>} : memref<2048xi32, #tpu.memory_space<vmem>>, vector<16xi32>,
      %get3A_214 = arith.constant 416 : index
      %get3A_215 = tpu.vector_load %arg5[%get3A_214] {strides = array<i32>} : memref<2048xi32, #tpu.memory_space<vmem>>, vector<16xi32>,
      %add3A_216 = arith.addi %add3A_211, %get3A_215 : vector<16xi32>
      %swap3A_217 = arith.constant 416 : index
      %swap3A_218 = tpu.vector_load %arg5[%swap3A_217] {strides = array<i32>} : memref<2048xi32, #tpu.memory_space<vmem>>, vector<16xi32>,
      tpu.vector_store %arg5[%swap3A_217], %broadcast_in_dim3A_3 {strides = array<i32>} : memref<2048xi32, #tpu.memory_space<vmem>>, vector<16xi32>,
      %get3A_219 = arith.constant 544 : index
      %get3A_220 = tpu.vector_load %arg5[%get3A_219] {strides = array<i32>} : memref<2048xi32, #tpu.memory_space<vmem>>, vector<16xi32>,
      %add3A_221 = arith.addi %add3A_216, %get3A_220 : vector<16xi32>
      %swap3A_222 = arith.constant 544 : index
      %swap3A_223 = tpu.vector_load %arg5[%swap3A_222] {strides = array<i32>} : memref<2048xi32, #tpu.memory_space<vmem>>, vector<16xi32>,
      tpu.vector_store %arg5[%swap3A_222], %broadcast_in_dim3A_3 {strides = array<i32>} : memref<2048xi32, #tpu.memory_space<vmem>>, vector<16xi32>,
      %get3A_224 = arith.constant 672 : index
      %get3A_225 = tpu.vector_load %arg5[%get3A_224] {strides = array<i32>} : memref<2048xi32, #tpu.memory_space<vmem>>, vector<16xi32>,
      %add3A_226 = arith.addi %add3A_221, %get3A_225 : vector<16xi32>
      %swap3A_227 = arith.constant 672 : index
      %swap3A_228 = tpu.vector_load %arg5[%swap3A_227] {strides = array<i32>} : memref<2048xi32, #tpu.memory_space<vmem>>, vector<16xi32>,
      tpu.vector_store %arg5[%swap3A_227], %broadcast_in_dim3A_3 {strides = array<i32>} : memref<2048xi32, #tpu.memory_space<vmem>>, vector<16xi32>,
      %get3A_229 = arith.constant 800 : index
      %get3A_230 = tpu.vector_load %arg5[%get3A_229] {strides = array<i32>} : memref<2048xi32, #tpu.memory_space<vmem>>, vector<16xi32>,
      %add3A_231 = arith.addi %add3A_226, %get3A_230 : vector<16xi32>
      %swap3A_232 = arith.constant 800 : index
      %swap3A_233 = tpu.vector_load %arg5[%swap3A_232] {strides = array<i32>} : memref<2048xi32, #tpu.memory_space<vmem>>, vector<16xi32>,
      tpu.vector_store %arg5[%swap3A_232], %broadcast_in_dim3A_3 {strides = array<i32>} : memref<2048xi32, #tpu.memory_space<vmem>>, vector<16xi32>,
      %get3A_234 = arith.constant 928 : index
      %get3A_235 = tpu.vector_load %arg5[%get3A_234] {strides = array<i32>} : memref<2048xi32, #tpu.memory_space<vmem>>, vector<16xi32>,
      %add3A_236 = arith.addi %add3A_231, %get3A_235 : vector<16xi32>
      %swap3A_237 = arith.constant 928 : index
      %swap3A_238 = tpu.vector_load %arg5[%swap3A_237] {strides = array<i32>} : memref<2048xi32, #tpu.memory_space<vmem>>, vector<16xi32>,
      tpu.vector_store %arg5[%swap3A_237], %broadcast_in_dim3A_3 {strides = array<i32>} : memref<2048xi32, #tpu.memory_space<vmem>>, vector<16xi32>,
      %get3A_239 = arith.constant 1056 : index
      %get3A_240 = tpu.vector_load %arg5[%get3A_239] {strides = array<i32>} : memref<2048xi32, #tpu.memory_space<vmem>>, vector<16xi32>,
      %add3A_241 = arith.addi %add3A_236, %get3A_240 : vector<16xi32>
      %swap3A_242 = arith.constant 1056 : index
      %swap3A_243 = tpu.vector_load %arg5[%swap3A_242] {strides = array<i32>} : memref<2048xi32, #tpu.memory_space<vmem>>, vector<16xi32>,
      tpu.vector_store %arg5[%swap3A_242], %broadcast_in_dim3A_3 {strides = array<i32>} : memref<2048xi32, #tpu.memory_space<vmem>>, vector<16xi32>,
      %get3A_244 = arith.constant 1184 : index
      %get3A_245 = tpu.vector_load %arg5[%get3A_244] {strides = array<i32>} : memref<2048xi32, #tpu.memory_space<vmem>>, vector<16xi32>,
      %add3A_246 = arith.addi %add3A_241, %get3A_245 : vector<16xi32>
      %swap3A_247 = arith.constant 1184 : index
      %swap3A_248 = tpu.vector_load %arg5[%swap3A_247] {strides = array<i32>} : memref<2048xi32, #tpu.memory_space<vmem>>, vector<16xi32>,
      tpu.vector_store %arg5[%swap3A_247], %broadcast_in_dim3A_3 {strides = array<i32>} : memref<2048xi32, #tpu.memory_space<vmem>>, vector<16xi32>,
      %get3A_249 = arith.constant 1312 : index
      %get3A_250 = tpu.vector_load %arg5[%get3A_249] {strides = array<i32>} : memref<2048xi32, #tpu.memory_space<vmem>>, vector<16xi32>,
      %add3A_251 = arith.addi %add3A_246, %get3A_250 : vector<16xi32>
      %swap3A_252 = arith.constant 1312 : index
      %swap3A_253 = tpu.vector_load %arg5[%swap3A_252] {strides = array<i32>} : memref<2048xi32, #tpu.memory_space<vmem>>, vector<16xi32>,
      tpu.vector_store %arg5[%swap3A_252], %broadcast_in_dim3A_3 {strides = array<i32>} : memref<2048xi32, #tpu.memory_space<vmem>>, vector<16xi32>,
      %get3A_254 = arith.constant 1440 : index
      %get3A_255 = tpu.vector_load %arg5[%get3A_254] {strides = array<i32>} : memref<2048xi32, #tpu.memory_space<vmem>>, vector<16xi32>,
      %add3A_256 = arith.addi %add3A_251, %get3A_255 : vector<16xi32>
      %swap3A_257 = arith.constant 1440 : index
      %swap3A_258 = tpu.vector_load %arg5[%swap3A_257] {strides = array<i32>} : memref<2048xi32, #tpu.memory_space<vmem>>, vector<16xi32>,
      tpu.vector_store %arg5[%swap3A_257], %broadcast_in_dim3A_3 {strides = array<i32>} : memref<2048xi32, #tpu.memory_space<vmem>>, vector<16xi32>,
      %get3A_259 = arith.constant 1568 : index
      %get3A_260 = tpu.vector_load %arg5[%get3A_259] {strides = array<i32>} : memref<2048xi32, #tpu.memory_space<vmem>>, vector<16xi32>,
      %add3A_261 = arith.addi %add3A_256, %get3A_260 : vector<16xi32>
      %swap3A_262 = arith.constant 1568 : index
      %swap3A_263 = tpu.vector_load %arg5[%swap3A_262] {strides = array<i32>} : memref<2048xi32, #tpu.memory_space<vmem>>, vector<16xi32>,
      tpu.vector_store %arg5[%swap3A_262], %broadcast_in_dim3A_3 {strides = array<i32>} : memref<2048xi32, #tpu.memory_space<vmem>>, vector<16xi32>,
      %get3A_264 = arith.constant 1696 : index
      %get3A_265 = tpu.vector_load %arg5[%get3A_264] {strides = array<i32>} : memref<2048xi32, #tpu.memory_space<vmem>>, vector<16xi32>,
      %add3A_266 = arith.addi %add3A_261, %get3A_265 : vector<16xi32>
      %swap3A_267 = arith.constant 1696 : index
      %swap3A_268 = tpu.vector_load %arg5[%swap3A_267] {strides = array<i32>} : memref<2048xi32, #tpu.memory_space<vmem>>, vector<16xi32>,
      tpu.vector_store %arg5[%swap3A_267], %broadcast_in_dim3A_3 {strides = array<i32>} : memref<2048xi32, #tpu.memory_space<vmem>>, vector<16xi32>,
      %get3A_269 = arith.constant 1824 : index
      %get3A_270 = tpu.vector_load %arg5[%get3A_269] {strides = array<i32>} : memref<2048xi32, #tpu.memory_space<vmem>>, vector<16xi32>,
      %add3A_271 = arith.addi %add3A_266, %get3A_270 : vector<16xi32>
      %swap3A_272 = arith.constant 1824 : index
      %swap3A_273 = tpu.vector_load %arg5[%swap3A_272] {strides = array<i32>} : memref<2048xi32, #tpu.memory_space<vmem>>, vector<16xi32>,
      tpu.vector_store %arg5[%swap3A_272], %broadcast_in_dim3A_3 {strides = array<i32>} : memref<2048xi32, #tpu.memory_space<vmem>>, vector<16xi32>,
      %get3A_274 = arith.constant 1952 : index
      %get3A_275 = tpu.vector_load %arg5[%get3A_274] {strides = array<i32>} : memref<2048xi32, #tpu.memory_space<vmem>>, vector<16xi32>,
      %add3A_276 = arith.addi %add3A_271, %get3A_275 : vector<16xi32>
      %swap3A_277 = arith.constant 1952 : index
      %swap3A_278 = tpu.vector_load %arg5[%swap3A_277] {strides = array<i32>} : memref<2048xi32, #tpu.memory_space<vmem>>, vector<16xi32>,
      tpu.vector_store %arg5[%swap3A_277], %broadcast_in_dim3A_3 {strides = array<i32>} : memref<2048xi32, #tpu.memory_space<vmem>>, vector<16xi32>,
      %swap3A_279 = arith.constant 32 : index
      %swap3A_280 = tpu.vector_load %arg6[%swap3A_279] {strides = array<i32>} : memref<128xi32, #tpu.memory_space<vmem>>, vector<16xi32>,
      tpu.vector_store %arg6[%swap3A_279], %add3A_276 {strides = array<i32>} : memref<128xi32, #tpu.memory_space<vmem>>, vector<16xi32>,
      %eq3A_281 = arith.constant 10 : i32
      %eq3A_282 = vector.broadcast %eq3A_281 : i32 to vector<16xi32>
      %eq3A_283 = arith.cmpi eq, %iota3A, %eq3A_282 : vector<16xi32>
      %reduce_sum3A_284 = arith.constant true
      %reduce_sum3A_285 = vector.broadcast %reduce_sum3A_284 : i1 to vector<16xi1>
      %reduce_sum3A_286 = tpu.scan <sum>, %add3A_276 masked %reduce_sum3A_285 : vector<16xi32>, vector<16xi1> -> vector<16xi32>
      %reduce_sum3A_287 = vector.extract %reduce_sum3A_286[15] : i32 from vector<16xi32>
      %broadcast_in_dim3A_288 = vector.broadcast %reduce_sum3A_287 : i32 to vector<16xi32>
      %select_n3A_289 = arith.select %eq3A_283, %broadcast_in_dim3A_288, %select_n3A_198 : vector<16xi1>, vector<16xi32>
      %get3A_290 = arith.constant 48 : index
      %get3A_291 = tpu.vector_load %arg5[%get3A_290] {strides = array<i32>} : memref<2048xi32, #tpu.memory_space<vmem>>, vector<16xi32>,
      %add3A_292 = arith.addi %broadcast_in_dim3A_3, %get3A_291 : vector<16xi32>
      %swap3A_293 = arith.constant 48 : index
      %swap3A_294 = tpu.vector_load %arg5[%swap3A_293] {strides = array<i32>} : memref<2048xi32, #tpu.memory_space<vmem>>, vector<16xi32>,
      tpu.vector_store %arg5[%swap3A_293], %broadcast_in_dim3A_3 {strides = array<i32>} : memref<2048xi32, #tpu.memory_space<vmem>>, vector<16xi32>,
      %get3A_295 = arith.constant 176 : index
      %get3A_296 = tpu.vector_load %arg5[%get3A_295] {strides = array<i32>} : memref<2048xi32, #tpu.memory_space<vmem>>, vector<16xi32>,
      %add3A_297 = arith.addi %add3A_292, %get3A_296 : vector<16xi32>
      %swap3A_298 = arith.constant 176 : index
      %swap3A_299 = tpu.vector_load %arg5[%swap3A_298] {strides = array<i32>} : memref<2048xi32, #tpu.memory_space<vmem>>, vector<16xi32>,
      tpu.vector_store %arg5[%swap3A_298], %broadcast_in_dim3A_3 {strides = array<i32>} : memref<2048xi32, #tpu.memory_space<vmem>>, vector<16xi32>,
      %get3A_300 = arith.constant 304 : index
      %get3A_301 = tpu.vector_load %arg5[%get3A_300] {strides = array<i32>} : memref<2048xi32, #tpu.memory_space<vmem>>, vector<16xi32>,
      %add3A_302 = arith.addi %add3A_297, %get3A_301 : vector<16xi32>
      %swap3A_303 = arith.constant 304 : index
      %swap3A_304 = tpu.vector_load %arg5[%swap3A_303] {strides = array<i32>} : memref<2048xi32, #tpu.memory_space<vmem>>, vector<16xi32>,
      tpu.vector_store %arg5[%swap3A_303], %broadcast_in_dim3A_3 {strides = array<i32>} : memref<2048xi32, #tpu.memory_space<vmem>>, vector<16xi32>,
      %get3A_305 = arith.constant 432 : index
      %get3A_306 = tpu.vector_load %arg5[%get3A_305] {strides = array<i32>} : memref<2048xi32, #tpu.memory_space<vmem>>, vector<16xi32>,
      %add3A_307 = arith.addi %add3A_302, %get3A_306 : vector<16xi32>
      %swap3A_308 = arith.constant 432 : index
      %swap3A_309 = tpu.vector_load %arg5[%swap3A_308] {strides = array<i32>} : memref<2048xi32, #tpu.memory_space<vmem>>, vector<16xi32>,
      tpu.vector_store %arg5[%swap3A_308], %broadcast_in_dim3A_3 {strides = array<i32>} : memref<2048xi32, #tpu.memory_space<vmem>>, vector<16xi32>,
      %get3A_310 = arith.constant 560 : index
      %get3A_311 = tpu.vector_load %arg5[%get3A_310] {strides = array<i32>} : memref<2048xi32, #tpu.memory_space<vmem>>, vector<16xi32>,
      %add3A_312 = arith.addi %add3A_307, %get3A_311 : vector<16xi32>
      %swap3A_313 = arith.constant 560 : index
      %swap3A_314 = tpu.vector_load %arg5[%swap3A_313] {strides = array<i32>} : memref<2048xi32, #tpu.memory_space<vmem>>, vector<16xi32>,
      tpu.vector_store %arg5[%swap3A_313], %broadcast_in_dim3A_3 {strides = array<i32>} : memref<2048xi32, #tpu.memory_space<vmem>>, vector<16xi32>,
      %get3A_315 = arith.constant 688 : index
      %get3A_316 = tpu.vector_load %arg5[%get3A_315] {strides = array<i32>} : memref<2048xi32, #tpu.memory_space<vmem>>, vector<16xi32>,
      %add3A_317 = arith.addi %add3A_312, %get3A_316 : vector<16xi32>
      %swap3A_318 = arith.constant 688 : index
      %swap3A_319 = tpu.vector_load %arg5[%swap3A_318] {strides = array<i32>} : memref<2048xi32, #tpu.memory_space<vmem>>, vector<16xi32>,
      tpu.vector_store %arg5[%swap3A_318], %broadcast_in_dim3A_3 {strides = array<i32>} : memref<2048xi32, #tpu.memory_space<vmem>>, vector<16xi32>,
      %get3A_320 = arith.constant 816 : index
      %get3A_321 = tpu.vector_load %arg5[%get3A_320] {strides = array<i32>} : memref<2048xi32, #tpu.memory_space<vmem>>, vector<16xi32>,
      %add3A_322 = arith.addi %add3A_317, %get3A_321 : vector<16xi32>
      %swap3A_323 = arith.constant 816 : index
      %swap3A_324 = tpu.vector_load %arg5[%swap3A_323] {strides = array<i32>} : memref<2048xi32, #tpu.memory_space<vmem>>, vector<16xi32>,
      tpu.vector_store %arg5[%swap3A_323], %broadcast_in_dim3A_3 {strides = array<i32>} : memref<2048xi32, #tpu.memory_space<vmem>>, vector<16xi32>,
      %get3A_325 = arith.constant 944 : index
      %get3A_326 = tpu.vector_load %arg5[%get3A_325] {strides = array<i32>} : memref<2048xi32, #tpu.memory_space<vmem>>, vector<16xi32>,
      %add3A_327 = arith.addi %add3A_322, %get3A_326 : vector<16xi32>
      %swap3A_328 = arith.constant 944 : index
      %swap3A_329 = tpu.vector_load %arg5[%swap3A_328] {strides = array<i32>} : memref<2048xi32, #tpu.memory_space<vmem>>, vector<16xi32>,
      tpu.vector_store %arg5[%swap3A_328], %broadcast_in_dim3A_3 {strides = array<i32>} : memref<2048xi32, #tpu.memory_space<vmem>>, vector<16xi32>,
      %get3A_330 = arith.constant 1072 : index
      %get3A_331 = tpu.vector_load %arg5[%get3A_330] {strides = array<i32>} : memref<2048xi32, #tpu.memory_space<vmem>>, vector<16xi32>,
      %add3A_332 = arith.addi %add3A_327, %get3A_331 : vector<16xi32>
      %swap3A_333 = arith.constant 1072 : index
      %swap3A_334 = tpu.vector_load %arg5[%swap3A_333] {strides = array<i32>} : memref<2048xi32, #tpu.memory_space<vmem>>, vector<16xi32>,
      tpu.vector_store %arg5[%swap3A_333], %broadcast_in_dim3A_3 {strides = array<i32>} : memref<2048xi32, #tpu.memory_space<vmem>>, vector<16xi32>,
      %get3A_335 = arith.constant 1200 : index
      %get3A_336 = tpu.vector_load %arg5[%get3A_335] {strides = array<i32>} : memref<2048xi32, #tpu.memory_space<vmem>>, vector<16xi32>,
      %add3A_337 = arith.addi %add3A_332, %get3A_336 : vector<16xi32>
      %swap3A_338 = arith.constant 1200 : index
      %swap3A_339 = tpu.vector_load %arg5[%swap3A_338] {strides = array<i32>} : memref<2048xi32, #tpu.memory_space<vmem>>, vector<16xi32>,
      tpu.vector_store %arg5[%swap3A_338], %broadcast_in_dim3A_3 {strides = array<i32>} : memref<2048xi32, #tpu.memory_space<vmem>>, vector<16xi32>,
      %get3A_340 = arith.constant 1328 : index
      %get3A_341 = tpu.vector_load %arg5[%get3A_340] {strides = array<i32>} : memref<2048xi32, #tpu.memory_space<vmem>>, vector<16xi32>,
      %add3A_342 = arith.addi %add3A_337, %get3A_341 : vector<16xi32>
      %swap3A_343 = arith.constant 1328 : index
      %swap3A_344 = tpu.vector_load %arg5[%swap3A_343] {strides = array<i32>} : memref<2048xi32, #tpu.memory_space<vmem>>, vector<16xi32>,
      tpu.vector_store %arg5[%swap3A_343], %broadcast_in_dim3A_3 {strides = array<i32>} : memref<2048xi32, #tpu.memory_space<vmem>>, vector<16xi32>,
      %get3A_345 = arith.constant 1456 : index
      %get3A_346 = tpu.vector_load %arg5[%get3A_345] {strides = array<i32>} : memref<2048xi32, #tpu.memory_space<vmem>>, vector<16xi32>,
      %add3A_347 = arith.addi %add3A_342, %get3A_346 : vector<16xi32>
      %swap3A_348 = arith.constant 1456 : index
      %swap3A_349 = tpu.vector_load %arg5[%swap3A_348] {strides = array<i32>} : memref<2048xi32, #tpu.memory_space<vmem>>, vector<16xi32>,
      tpu.vector_store %arg5[%swap3A_348], %broadcast_in_dim3A_3 {strides = array<i32>} : memref<2048xi32, #tpu.memory_space<vmem>>, vector<16xi32>,
      %get3A_350 = arith.constant 1584 : index
      %get3A_351 = tpu.vector_load %arg5[%get3A_350] {strides = array<i32>} : memref<2048xi32, #tpu.memory_space<vmem>>, vector<16xi32>,
      %add3A_352 = arith.addi %add3A_347, %get3A_351 : vector<16xi32>
      %swap3A_353 = arith.constant 1584 : index
      %swap3A_354 = tpu.vector_load %arg5[%swap3A_353] {strides = array<i32>} : memref<2048xi32, #tpu.memory_space<vmem>>, vector<16xi32>,
      tpu.vector_store %arg5[%swap3A_353], %broadcast_in_dim3A_3 {strides = array<i32>} : memref<2048xi32, #tpu.memory_space<vmem>>, vector<16xi32>,
      %get3A_355 = arith.constant 1712 : index
      %get3A_356 = tpu.vector_load %arg5[%get3A_355] {strides = array<i32>} : memref<2048xi32, #tpu.memory_space<vmem>>, vector<16xi32>,
      %add3A_357 = arith.addi %add3A_352, %get3A_356 : vector<16xi32>
      %swap3A_358 = arith.constant 1712 : index
      %swap3A_359 = tpu.vector_load %arg5[%swap3A_358] {strides = array<i32>} : memref<2048xi32, #tpu.memory_space<vmem>>, vector<16xi32>,
      tpu.vector_store %arg5[%swap3A_358], %broadcast_in_dim3A_3 {strides = array<i32>} : memref<2048xi32, #tpu.memory_space<vmem>>, vector<16xi32>,
      %get3A_360 = arith.constant 1840 : index
      %get3A_361 = tpu.vector_load %arg5[%get3A_360] {strides = array<i32>} : memref<2048xi32, #tpu.memory_space<vmem>>, vector<16xi32>,
      %add3A_362 = arith.addi %add3A_357, %get3A_361 : vector<16xi32>
      %swap3A_363 = arith.constant 1840 : index
      %swap3A_364 = tpu.vector_load %arg5[%swap3A_363] {strides = array<i32>} : memref<2048xi32, #tpu.memory_space<vmem>>, vector<16xi32>,
      tpu.vector_store %arg5[%swap3A_363], %broadcast_in_dim3A_3 {strides = array<i32>} : memref<2048xi32, #tpu.memory_space<vmem>>, vector<16xi32>,
      %get3A_365 = arith.constant 1968 : index
      %get3A_366 = tpu.vector_load %arg5[%get3A_365] {strides = array<i32>} : memref<2048xi32, #tpu.memory_space<vmem>>, vector<16xi32>,
      %add3A_367 = arith.addi %add3A_362, %get3A_366 : vector<16xi32>
      %swap3A_368 = arith.constant 1968 : index
      %swap3A_369 = tpu.vector_load %arg5[%swap3A_368] {strides = array<i32>} : memref<2048xi32, #tpu.memory_space<vmem>>, vector<16xi32>,
      tpu.vector_store %arg5[%swap3A_368], %broadcast_in_dim3A_3 {strides = array<i32>} : memref<2048xi32, #tpu.memory_space<vmem>>, vector<16xi32>,
      %swap3A_370 = arith.constant 48 : index
      %swap3A_371 = tpu.vector_load %arg6[%swap3A_370] {strides = array<i32>} : memref<128xi32, #tpu.memory_space<vmem>>, vector<16xi32>,
      tpu.vector_store %arg6[%swap3A_370], %add3A_367 {strides = array<i32>} : memref<128xi32, #tpu.memory_space<vmem>>, vector<16xi32>,
      %eq3A_372 = arith.constant 11 : i32
      %eq3A_373 = vector.broadcast %eq3A_372 : i32 to vector<16xi32>
      %eq3A_374 = arith.cmpi eq, %iota3A, %eq3A_373 : vector<16xi32>
      %reduce_sum3A_375 = arith.constant true
      %reduce_sum3A_376 = vector.broadcast %reduce_sum3A_375 : i1 to vector<16xi1>
      %reduce_sum3A_377 = tpu.scan <sum>, %add3A_367 masked %reduce_sum3A_376 : vector<16xi32>, vector<16xi1> -> vector<16xi32>
      %reduce_sum3A_378 = vector.extract %reduce_sum3A_377[15] : i32 from vector<16xi32>
      %broadcast_in_dim3A_379 = vector.broadcast %reduce_sum3A_378 : i32 to vector<16xi32>
      %select_n3A_380 = arith.select %eq3A_374, %broadcast_in_dim3A_379, %select_n3A_289 : vector<16xi1>, vector<16xi32>
      %get3A_381 = arith.constant 64 : index
      %get3A_382 = tpu.vector_load %arg5[%get3A_381] {strides = array<i32>} : memref<2048xi32, #tpu.memory_space<vmem>>, vector<16xi32>,
      %add3A_383 = arith.addi %broadcast_in_dim3A_3, %get3A_382 : vector<16xi32>
      %swap3A_384 = arith.constant 64 : index
      %swap3A_385 = tpu.vector_load %arg5[%swap3A_384] {strides = array<i32>} : memref<2048xi32, #tpu.memory_space<vmem>>, vector<16xi32>,
      tpu.vector_store %arg5[%swap3A_384], %broadcast_in_dim3A_3 {strides = array<i32>} : memref<2048xi32, #tpu.memory_space<vmem>>, vector<16xi32>,
      %get3A_386 = arith.constant 192 : index
      %get3A_387 = tpu.vector_load %arg5[%get3A_386] {strides = array<i32>} : memref<2048xi32, #tpu.memory_space<vmem>>, vector<16xi32>,
      %add3A_388 = arith.addi %add3A_383, %get3A_387 : vector<16xi32>
      %swap3A_389 = arith.constant 192 : index
      %swap3A_390 = tpu.vector_load %arg5[%swap3A_389] {strides = array<i32>} : memref<2048xi32, #tpu.memory_space<vmem>>, vector<16xi32>,
      tpu.vector_store %arg5[%swap3A_389], %broadcast_in_dim3A_3 {strides = array<i32>} : memref<2048xi32, #tpu.memory_space<vmem>>, vector<16xi32>,
      %get3A_391 = arith.constant 320 : index
      %get3A_392 = tpu.vector_load %arg5[%get3A_391] {strides = array<i32>} : memref<2048xi32, #tpu.memory_space<vmem>>, vector<16xi32>,
      %add3A_393 = arith.addi %add3A_388, %get3A_392 : vector<16xi32>
      %swap3A_394 = arith.constant 320 : index
      %swap3A_395 = tpu.vector_load %arg5[%swap3A_394] {strides = array<i32>} : memref<2048xi32, #tpu.memory_space<vmem>>, vector<16xi32>,
      tpu.vector_store %arg5[%swap3A_394], %broadcast_in_dim3A_3 {strides = array<i32>} : memref<2048xi32, #tpu.memory_space<vmem>>, vector<16xi32>,
      %get3A_396 = arith.constant 448 : index
      %get3A_397 = tpu.vector_load %arg5[%get3A_396] {strides = array<i32>} : memref<2048xi32, #tpu.memory_space<vmem>>, vector<16xi32>,
      %add3A_398 = arith.addi %add3A_393, %get3A_397 : vector<16xi32>
      %swap3A_399 = arith.constant 448 : index
      %swap3A_400 = tpu.vector_load %arg5[%swap3A_399] {strides = array<i32>} : memref<2048xi32, #tpu.memory_space<vmem>>, vector<16xi32>,
      tpu.vector_store %arg5[%swap3A_399], %broadcast_in_dim3A_3 {strides = array<i32>} : memref<2048xi32, #tpu.memory_space<vmem>>, vector<16xi32>,
      %get3A_401 = arith.constant 576 : index
      %get3A_402 = tpu.vector_load %arg5[%get3A_401] {strides = array<i32>} : memref<2048xi32, #tpu.memory_space<vmem>>, vector<16xi32>,
      %add3A_403 = arith.addi %add3A_398, %get3A_402 : vector<16xi32>
      %swap3A_404 = arith.constant 576 : index
      %swap3A_405 = tpu.vector_load %arg5[%swap3A_404] {strides = array<i32>} : memref<2048xi32, #tpu.memory_space<vmem>>, vector<16xi32>,
      tpu.vector_store %arg5[%swap3A_404], %broadcast_in_dim3A_3 {strides = array<i32>} : memref<2048xi32, #tpu.memory_space<vmem>>, vector<16xi32>,
      %get3A_406 = arith.constant 704 : index
      %get3A_407 = tpu.vector_load %arg5[%get3A_406] {strides = array<i32>} : memref<2048xi32, #tpu.memory_space<vmem>>, vector<16xi32>,
      %add3A_408 = arith.addi %add3A_403, %get3A_407 : vector<16xi32>
      %swap3A_409 = arith.constant 704 : index
      %swap3A_410 = tpu.vector_load %arg5[%swap3A_409] {strides = array<i32>} : memref<2048xi32, #tpu.memory_space<vmem>>, vector<16xi32>,
      tpu.vector_store %arg5[%swap3A_409], %broadcast_in_dim3A_3 {strides = array<i32>} : memref<2048xi32, #tpu.memory_space<vmem>>, vector<16xi32>,
      %get3A_411 = arith.constant 832 : index
      %get3A_412 = tpu.vector_load %arg5[%get3A_411] {strides = array<i32>} : memref<2048xi32, #tpu.memory_space<vmem>>, vector<16xi32>,
      %add3A_413 = arith.addi %add3A_408, %get3A_412 : vector<16xi32>
      %swap3A_414 = arith.constant 832 : index
      %swap3A_415 = tpu.vector_load %arg5[%swap3A_414] {strides = array<i32>} : memref<2048xi32, #tpu.memory_space<vmem>>, vector<16xi32>,
      tpu.vector_store %arg5[%swap3A_414], %broadcast_in_dim3A_3 {strides = array<i32>} : memref<2048xi32, #tpu.memory_space<vmem>>, vector<16xi32>,
      %get3A_416 = arith.constant 960 : index
      %get3A_417 = tpu.vector_load %arg5[%get3A_416] {strides = array<i32>} : memref<2048xi32, #tpu.memory_space<vmem>>, vector<16xi32>,
      %add3A_418 = arith.addi %add3A_413, %get3A_417 : vector<16xi32>
      %swap3A_419 = arith.constant 960 : index
      %swap3A_420 = tpu.vector_load %arg5[%swap3A_419] {strides = array<i32>} : memref<2048xi32, #tpu.memory_space<vmem>>, vector<16xi32>,
      tpu.vector_store %arg5[%swap3A_419], %broadcast_in_dim3A_3 {strides = array<i32>} : memref<2048xi32, #tpu.memory_space<vmem>>, vector<16xi32>,
      %get3A_421 = arith.constant 1088 : index
      %get3A_422 = tpu.vector_load %arg5[%get3A_421] {strides = array<i32>} : memref<2048xi32, #tpu.memory_space<vmem>>, vector<16xi32>,
      %add3A_423 = arith.addi %add3A_418, %get3A_422 : vector<16xi32>
      %swap3A_424 = arith.constant 1088 : index
      %swap3A_425 = tpu.vector_load %arg5[%swap3A_424] {strides = array<i32>} : memref<2048xi32, #tpu.memory_space<vmem>>, vector<16xi32>,
      tpu.vector_store %arg5[%swap3A_424], %broadcast_in_dim3A_3 {strides = array<i32>} : memref<2048xi32, #tpu.memory_space<vmem>>, vector<16xi32>,
      %get3A_426 = arith.constant 1216 : index
      %get3A_427 = tpu.vector_load %arg5[%get3A_426] {strides = array<i32>} : memref<2048xi32, #tpu.memory_space<vmem>>, vector<16xi32>,
      %add3A_428 = arith.addi %add3A_423, %get3A_427 : vector<16xi32>
      %swap3A_429 = arith.constant 1216 : index
      %swap3A_430 = tpu.vector_load %arg5[%swap3A_429] {strides = array<i32>} : memref<2048xi32, #tpu.memory_space<vmem>>, vector<16xi32>,
      tpu.vector_store %arg5[%swap3A_429], %broadcast_in_dim3A_3 {strides = array<i32>} : memref<2048xi32, #tpu.memory_space<vmem>>, vector<16xi32>,
      %get3A_431 = arith.constant 1344 : index
      %get3A_432 = tpu.vector_load %arg5[%get3A_431] {strides = array<i32>} : memref<2048xi32, #tpu.memory_space<vmem>>, vector<16xi32>,
      %add3A_433 = arith.addi %add3A_428, %get3A_432 : vector<16xi32>
      %swap3A_434 = arith.constant 1344 : index
      %swap3A_435 = tpu.vector_load %arg5[%swap3A_434] {strides = array<i32>} : memref<2048xi32, #tpu.memory_space<vmem>>, vector<16xi32>,
      tpu.vector_store %arg5[%swap3A_434], %broadcast_in_dim3A_3 {strides = array<i32>} : memref<2048xi32, #tpu.memory_space<vmem>>, vector<16xi32>,
      %get3A_436 = arith.constant 1472 : index
      %get3A_437 = tpu.vector_load %arg5[%get3A_436] {strides = array<i32>} : memref<2048xi32, #tpu.memory_space<vmem>>, vector<16xi32>,
      %add3A_438 = arith.addi %add3A_433, %get3A_437 : vector<16xi32>
      %swap3A_439 = arith.constant 1472 : index
      %swap3A_440 = tpu.vector_load %arg5[%swap3A_439] {strides = array<i32>} : memref<2048xi32, #tpu.memory_space<vmem>>, vector<16xi32>,
      tpu.vector_store %arg5[%swap3A_439], %broadcast_in_dim3A_3 {strides = array<i32>} : memref<2048xi32, #tpu.memory_space<vmem>>, vector<16xi32>,
      %get3A_441 = arith.constant 1600 : index
      %get3A_442 = tpu.vector_load %arg5[%get3A_441] {strides = array<i32>} : memref<2048xi32, #tpu.memory_space<vmem>>, vector<16xi32>,
      %add3A_443 = arith.addi %add3A_438, %get3A_442 : vector<16xi32>
      %swap3A_444 = arith.constant 1600 : index
      %swap3A_445 = tpu.vector_load %arg5[%swap3A_444] {strides = array<i32>} : memref<2048xi32, #tpu.memory_space<vmem>>, vector<16xi32>,
      tpu.vector_store %arg5[%swap3A_444], %broadcast_in_dim3A_3 {strides = array<i32>} : memref<2048xi32, #tpu.memory_space<vmem>>, vector<16xi32>,
      %get3A_446 = arith.constant 1728 : index
      %get3A_447 = tpu.vector_load %arg5[%get3A_446] {strides = array<i32>} : memref<2048xi32, #tpu.memory_space<vmem>>, vector<16xi32>,
      %add3A_448 = arith.addi %add3A_443, %get3A_447 : vector<16xi32>
      %swap3A_449 = arith.constant 1728 : index
      %swap3A_450 = tpu.vector_load %arg5[%swap3A_449] {strides = array<i32>} : memref<2048xi32, #tpu.memory_space<vmem>>, vector<16xi32>,
      tpu.vector_store %arg5[%swap3A_449], %broadcast_in_dim3A_3 {strides = array<i32>} : memref<2048xi32, #tpu.memory_space<vmem>>, vector<16xi32>,
      %get3A_451 = arith.constant 1856 : index
      %get3A_452 = tpu.vector_load %arg5[%get3A_451] {strides = array<i32>} : memref<2048xi32, #tpu.memory_space<vmem>>, vector<16xi32>,
      %add3A_453 = arith.addi %add3A_448, %get3A_452 : vector<16xi32>
      %swap3A_454 = arith.constant 1856 : index
      %swap3A_455 = tpu.vector_load %arg5[%swap3A_454] {strides = array<i32>} : memref<2048xi32, #tpu.memory_space<vmem>>, vector<16xi32>,
      tpu.vector_store %arg5[%swap3A_454], %broadcast_in_dim3A_3 {strides = array<i32>} : memref<2048xi32, #tpu.memory_space<vmem>>, vector<16xi32>,
      %get3A_456 = arith.constant 1984 : index
      %get3A_457 = tpu.vector_load %arg5[%get3A_456] {strides = array<i32>} : memref<2048xi32, #tpu.memory_space<vmem>>, vector<16xi32>,
      %add3A_458 = arith.addi %add3A_453, %get3A_457 : vector<16xi32>
      %swap3A_459 = arith.constant 1984 : index
      %swap3A_460 = tpu.vector_load %arg5[%swap3A_459] {strides = array<i32>} : memref<2048xi32, #tpu.memory_space<vmem>>, vector<16xi32>,
      tpu.vector_store %arg5[%swap3A_459], %broadcast_in_dim3A_3 {strides = array<i32>} : memref<2048xi32, #tpu.memory_space<vmem>>, vector<16xi32>,
      %swap3A_461 = arith.constant 64 : index
      %swap3A_462 = tpu.vector_load %arg6[%swap3A_461] {strides = array<i32>} : memref<128xi32, #tpu.memory_space<vmem>>, vector<16xi32>,
      tpu.vector_store %arg6[%swap3A_461], %add3A_458 {strides = array<i32>} : memref<128xi32, #tpu.memory_space<vmem>>, vector<16xi32>,
      %eq3A_463 = arith.constant 12 : i32
      %eq3A_464 = vector.broadcast %eq3A_463 : i32 to vector<16xi32>
      %eq3A_465 = arith.cmpi eq, %iota3A, %eq3A_464 : vector<16xi32>
      %reduce_sum3A_466 = arith.constant true
      %reduce_sum3A_467 = vector.broadcast %reduce_sum3A_466 : i1 to vector<16xi1>
      %reduce_sum3A_468 = tpu.scan <sum>, %add3A_458 masked %reduce_sum3A_467 : vector<16xi32>, vector<16xi1> -> vector<16xi32>
      %reduce_sum3A_469 = vector.extract %reduce_sum3A_468[15] : i32 from vector<16xi32>
      %broadcast_in_dim3A_470 = vector.broadcast %reduce_sum3A_469 : i32 to vector<16xi32>
      %select_n3A_471 = arith.select %eq3A_465, %broadcast_in_dim3A_470, %select_n3A_380 : vector<16xi1>, vector<16xi32>
      %get3A_472 = arith.constant 80 : index
      %get3A_473 = tpu.vector_load %arg5[%get3A_472] {strides = array<i32>} : memref<2048xi32, #tpu.memory_space<vmem>>, vector<16xi32>,
      %add3A_474 = arith.addi %broadcast_in_dim3A_3, %get3A_473 : vector<16xi32>
      %swap3A_475 = arith.constant 80 : index
      %swap3A_476 = tpu.vector_load %arg5[%swap3A_475] {strides = array<i32>} : memref<2048xi32, #tpu.memory_space<vmem>>, vector<16xi32>,
      tpu.vector_store %arg5[%swap3A_475], %broadcast_in_dim3A_3 {strides = array<i32>} : memref<2048xi32, #tpu.memory_space<vmem>>, vector<16xi32>,
      %get3A_477 = arith.constant 208 : index
      %get3A_478 = tpu.vector_load %arg5[%get3A_477] {strides = array<i32>} : memref<2048xi32, #tpu.memory_space<vmem>>, vector<16xi32>,
      %add3A_479 = arith.addi %add3A_474, %get3A_478 : vector<16xi32>
      %swap3A_480 = arith.constant 208 : index
      %swap3A_481 = tpu.vector_load %arg5[%swap3A_480] {strides = array<i32>} : memref<2048xi32, #tpu.memory_space<vmem>>, vector<16xi32>,
      tpu.vector_store %arg5[%swap3A_480], %broadcast_in_dim3A_3 {strides = array<i32>} : memref<2048xi32, #tpu.memory_space<vmem>>, vector<16xi32>,
      %get3A_482 = arith.constant 336 : index
      %get3A_483 = tpu.vector_load %arg5[%get3A_482] {strides = array<i32>} : memref<2048xi32, #tpu.memory_space<vmem>>, vector<16xi32>,
      %add3A_484 = arith.addi %add3A_479, %get3A_483 : vector<16xi32>
      %swap3A_485 = arith.constant 336 : index
      %swap3A_486 = tpu.vector_load %arg5[%swap3A_485] {strides = array<i32>} : memref<2048xi32, #tpu.memory_space<vmem>>, vector<16xi32>,
      tpu.vector_store %arg5[%swap3A_485], %broadcast_in_dim3A_3 {strides = array<i32>} : memref<2048xi32, #tpu.memory_space<vmem>>, vector<16xi32>,
      %get3A_487 = arith.constant 464 : index
      %get3A_488 = tpu.vector_load %arg5[%get3A_487] {strides = array<i32>} : memref<2048xi32, #tpu.memory_space<vmem>>, vector<16xi32>,
      %add3A_489 = arith.addi %add3A_484, %get3A_488 : vector<16xi32>
      %swap3A_490 = arith.constant 464 : index
      %swap3A_491 = tpu.vector_load %arg5[%swap3A_490] {strides = array<i32>} : memref<2048xi32, #tpu.memory_space<vmem>>, vector<16xi32>,
      tpu.vector_store %arg5[%swap3A_490], %broadcast_in_dim3A_3 {strides = array<i32>} : memref<2048xi32, #tpu.memory_space<vmem>>, vector<16xi32>,
      %get3A_492 = arith.constant 592 : index
      %get3A_493 = tpu.vector_load %arg5[%get3A_492] {strides = array<i32>} : memref<2048xi32, #tpu.memory_space<vmem>>, vector<16xi32>,
      %add3A_494 = arith.addi %add3A_489, %get3A_493 : vector<16xi32>
      %swap3A_495 = arith.constant 592 : index
      %swap3A_496 = tpu.vector_load %arg5[%swap3A_495] {strides = array<i32>} : memref<2048xi32, #tpu.memory_space<vmem>>, vector<16xi32>,
      tpu.vector_store %arg5[%swap3A_495], %broadcast_in_dim3A_3 {strides = array<i32>} : memref<2048xi32, #tpu.memory_space<vmem>>, vector<16xi32>,
      %get3A_497 = arith.constant 720 : index
      %get3A_498 = tpu.vector_load %arg5[%get3A_497] {strides = array<i32>} : memref<2048xi32, #tpu.memory_space<vmem>>, vector<16xi32>,
      %add3A_499 = arith.addi %add3A_494, %get3A_498 : vector<16xi32>
      %swap3A_500 = arith.constant 720 : index
      %swap3A_501 = tpu.vector_load %arg5[%swap3A_500] {strides = array<i32>} : memref<2048xi32, #tpu.memory_space<vmem>>, vector<16xi32>,
      tpu.vector_store %arg5[%swap3A_500], %broadcast_in_dim3A_3 {strides = array<i32>} : memref<2048xi32, #tpu.memory_space<vmem>>, vector<16xi32>,
      %get3A_502 = arith.constant 848 : index
      %get3A_503 = tpu.vector_load %arg5[%get3A_502] {strides = array<i32>} : memref<2048xi32, #tpu.memory_space<vmem>>, vector<16xi32>,
      %add3A_504 = arith.addi %add3A_499, %get3A_503 : vector<16xi32>
      %swap3A_505 = arith.constant 848 : index
      %swap3A_506 = tpu.vector_load %arg5[%swap3A_505] {strides = array<i32>} : memref<2048xi32, #tpu.memory_space<vmem>>, vector<16xi32>,
      tpu.vector_store %arg5[%swap3A_505], %broadcast_in_dim3A_3 {strides = array<i32>} : memref<2048xi32, #tpu.memory_space<vmem>>, vector<16xi32>,
      %get3A_507 = arith.constant 976 : index
      %get3A_508 = tpu.vector_load %arg5[%get3A_507] {strides = array<i32>} : memref<2048xi32, #tpu.memory_space<vmem>>, vector<16xi32>,
      %add3A_509 = arith.addi %add3A_504, %get3A_508 : vector<16xi32>
      %swap3A_510 = arith.constant 976 : index
      %swap3A_511 = tpu.vector_load %arg5[%swap3A_510] {strides = array<i32>} : memref<2048xi32, #tpu.memory_space<vmem>>, vector<16xi32>,
      tpu.vector_store %arg5[%swap3A_510], %broadcast_in_dim3A_3 {strides = array<i32>} : memref<2048xi32, #tpu.memory_space<vmem>>, vector<16xi32>,
      %get3A_512 = arith.constant 1104 : index
      %get3A_513 = tpu.vector_load %arg5[%get3A_512] {strides = array<i32>} : memref<2048xi32, #tpu.memory_space<vmem>>, vector<16xi32>,
      %add3A_514 = arith.addi %add3A_509, %get3A_513 : vector<16xi32>
      %swap3A_515 = arith.constant 1104 : index
      %swap3A_516 = tpu.vector_load %arg5[%swap3A_515] {strides = array<i32>} : memref<2048xi32, #tpu.memory_space<vmem>>, vector<16xi32>,
      tpu.vector_store %arg5[%swap3A_515], %broadcast_in_dim3A_3 {strides = array<i32>} : memref<2048xi32, #tpu.memory_space<vmem>>, vector<16xi32>,
      %get3A_517 = arith.constant 1232 : index
      %get3A_518 = tpu.vector_load %arg5[%get3A_517] {strides = array<i32>} : memref<2048xi32, #tpu.memory_space<vmem>>, vector<16xi32>,
      %add3A_519 = arith.addi %add3A_514, %get3A_518 : vector<16xi32>
      %swap3A_520 = arith.constant 1232 : index
      %swap3A_521 = tpu.vector_load %arg5[%swap3A_520] {strides = array<i32>} : memref<2048xi32, #tpu.memory_space<vmem>>, vector<16xi32>,
      tpu.vector_store %arg5[%swap3A_520], %broadcast_in_dim3A_3 {strides = array<i32>} : memref<2048xi32, #tpu.memory_space<vmem>>, vector<16xi32>,
      %get3A_522 = arith.constant 1360 : index
      %get3A_523 = tpu.vector_load %arg5[%get3A_522] {strides = array<i32>} : memref<2048xi32, #tpu.memory_space<vmem>>, vector<16xi32>,
      %add3A_524 = arith.addi %add3A_519, %get3A_523 : vector<16xi32>
      %swap3A_525 = arith.constant 1360 : index
      %swap3A_526 = tpu.vector_load %arg5[%swap3A_525] {strides = array<i32>} : memref<2048xi32, #tpu.memory_space<vmem>>, vector<16xi32>,
      tpu.vector_store %arg5[%swap3A_525], %broadcast_in_dim3A_3 {strides = array<i32>} : memref<2048xi32, #tpu.memory_space<vmem>>, vector<16xi32>,
      %get3A_527 = arith.constant 1488 : index
      %get3A_528 = tpu.vector_load %arg5[%get3A_527] {strides = array<i32>} : memref<2048xi32, #tpu.memory_space<vmem>>, vector<16xi32>,
      %add3A_529 = arith.addi %add3A_524, %get3A_528 : vector<16xi32>
      %swap3A_530 = arith.constant 1488 : index
      %swap3A_531 = tpu.vector_load %arg5[%swap3A_530] {strides = array<i32>} : memref<2048xi32, #tpu.memory_space<vmem>>, vector<16xi32>,
      tpu.vector_store %arg5[%swap3A_530], %broadcast_in_dim3A_3 {strides = array<i32>} : memref<2048xi32, #tpu.memory_space<vmem>>, vector<16xi32>,
      %get3A_532 = arith.constant 1616 : index
      %get3A_533 = tpu.vector_load %arg5[%get3A_532] {strides = array<i32>} : memref<2048xi32, #tpu.memory_space<vmem>>, vector<16xi32>,
      %add3A_534 = arith.addi %add3A_529, %get3A_533 : vector<16xi32>
      %swap3A_535 = arith.constant 1616 : index
      %swap3A_536 = tpu.vector_load %arg5[%swap3A_535] {strides = array<i32>} : memref<2048xi32, #tpu.memory_space<vmem>>, vector<16xi32>,
      tpu.vector_store %arg5[%swap3A_535], %broadcast_in_dim3A_3 {strides = array<i32>} : memref<2048xi32, #tpu.memory_space<vmem>>, vector<16xi32>,
      %get3A_537 = arith.constant 1744 : index
      %get3A_538 = tpu.vector_load %arg5[%get3A_537] {strides = array<i32>} : memref<2048xi32, #tpu.memory_space<vmem>>, vector<16xi32>,
      %add3A_539 = arith.addi %add3A_534, %get3A_538 : vector<16xi32>
      %swap3A_540 = arith.constant 1744 : index
      %swap3A_541 = tpu.vector_load %arg5[%swap3A_540] {strides = array<i32>} : memref<2048xi32, #tpu.memory_space<vmem>>, vector<16xi32>,
      tpu.vector_store %arg5[%swap3A_540], %broadcast_in_dim3A_3 {strides = array<i32>} : memref<2048xi32, #tpu.memory_space<vmem>>, vector<16xi32>,
      %get3A_542 = arith.constant 1872 : index
      %get3A_543 = tpu.vector_load %arg5[%get3A_542] {strides = array<i32>} : memref<2048xi32, #tpu.memory_space<vmem>>, vector<16xi32>,
      %add3A_544 = arith.addi %add3A_539, %get3A_543 : vector<16xi32>
      %swap3A_545 = arith.constant 1872 : index
      %swap3A_546 = tpu.vector_load %arg5[%swap3A_545] {strides = array<i32>} : memref<2048xi32, #tpu.memory_space<vmem>>, vector<16xi32>,
      tpu.vector_store %arg5[%swap3A_545], %broadcast_in_dim3A_3 {strides = array<i32>} : memref<2048xi32, #tpu.memory_space<vmem>>, vector<16xi32>,
      %get3A_547 = arith.constant 2000 : index
      %get3A_548 = tpu.vector_load %arg5[%get3A_547] {strides = array<i32>} : memref<2048xi32, #tpu.memory_space<vmem>>, vector<16xi32>,
      %add3A_549 = arith.addi %add3A_544, %get3A_548 : vector<16xi32>
      %swap3A_550 = arith.constant 2000 : index
      %swap3A_551 = tpu.vector_load %arg5[%swap3A_550] {strides = array<i32>} : memref<2048xi32, #tpu.memory_space<vmem>>, vector<16xi32>,
      tpu.vector_store %arg5[%swap3A_550], %broadcast_in_dim3A_3 {strides = array<i32>} : memref<2048xi32, #tpu.memory_space<vmem>>, vector<16xi32>,
      %swap3A_552 = arith.constant 80 : index
      %swap3A_553 = tpu.vector_load %arg6[%swap3A_552] {strides = array<i32>} : memref<128xi32, #tpu.memory_space<vmem>>, vector<16xi32>,
      tpu.vector_store %arg6[%swap3A_552], %add3A_549 {strides = array<i32>} : memref<128xi32, #tpu.memory_space<vmem>>, vector<16xi32>,
      %eq3A_554 = arith.constant 13 : i32
      %eq3A_555 = vector.broadcast %eq3A_554 : i32 to vector<16xi32>
      %eq3A_556 = arith.cmpi eq, %iota3A, %eq3A_555 : vector<16xi32>
      %reduce_sum3A_557 = arith.constant true
      %reduce_sum3A_558 = vector.broadcast %reduce_sum3A_557 : i1 to vector<16xi1>
      %reduce_sum3A_559 = tpu.scan <sum>, %add3A_549 masked %reduce_sum3A_558 : vector<16xi32>, vector<16xi1> -> vector<16xi32>
      %reduce_sum3A_560 = vector.extract %reduce_sum3A_559[15] : i32 from vector<16xi32>
      %broadcast_in_dim3A_561 = vector.broadcast %reduce_sum3A_560 : i32 to vector<16xi32>
      %select_n3A_562 = arith.select %eq3A_556, %broadcast_in_dim3A_561, %select_n3A_471 : vector<16xi1>, vector<16xi32>
      %get3A_563 = arith.constant 96 : index
      %get3A_564 = tpu.vector_load %arg5[%get3A_563] {strides = array<i32>} : memref<2048xi32, #tpu.memory_space<vmem>>, vector<16xi32>,
      %add3A_565 = arith.addi %broadcast_in_dim3A_3, %get3A_564 : vector<16xi32>
      %swap3A_566 = arith.constant 96 : index
      %swap3A_567 = tpu.vector_load %arg5[%swap3A_566] {strides = array<i32>} : memref<2048xi32, #tpu.memory_space<vmem>>, vector<16xi32>,
      tpu.vector_store %arg5[%swap3A_566], %broadcast_in_dim3A_3 {strides = array<i32>} : memref<2048xi32, #tpu.memory_space<vmem>>, vector<16xi32>,
      %get3A_568 = arith.constant 224 : index
      %get3A_569 = tpu.vector_load %arg5[%get3A_568] {strides = array<i32>} : memref<2048xi32, #tpu.memory_space<vmem>>, vector<16xi32>,
      %add3A_570 = arith.addi %add3A_565, %get3A_569 : vector<16xi32>
      %swap3A_571 = arith.constant 224 : index
      %swap3A_572 = tpu.vector_load %arg5[%swap3A_571] {strides = array<i32>} : memref<2048xi32, #tpu.memory_space<vmem>>, vector<16xi32>,
      tpu.vector_store %arg5[%swap3A_571], %broadcast_in_dim3A_3 {strides = array<i32>} : memref<2048xi32, #tpu.memory_space<vmem>>, vector<16xi32>,
      %get3A_573 = arith.constant 352 : index
      %get3A_574 = tpu.vector_load %arg5[%get3A_573] {strides = array<i32>} : memref<2048xi32, #tpu.memory_space<vmem>>, vector<16xi32>,
      %add3A_575 = arith.addi %add3A_570, %get3A_574 : vector<16xi32>
      %swap3A_576 = arith.constant 352 : index
      %swap3A_577 = tpu.vector_load %arg5[%swap3A_576] {strides = array<i32>} : memref<2048xi32, #tpu.memory_space<vmem>>, vector<16xi32>,
      tpu.vector_store %arg5[%swap3A_576], %broadcast_in_dim3A_3 {strides = array<i32>} : memref<2048xi32, #tpu.memory_space<vmem>>, vector<16xi32>,
      %get3A_578 = arith.constant 480 : index
      %get3A_579 = tpu.vector_load %arg5[%get3A_578] {strides = array<i32>} : memref<2048xi32, #tpu.memory_space<vmem>>, vector<16xi32>,
      %add3A_580 = arith.addi %add3A_575, %get3A_579 : vector<16xi32>
      %swap3A_581 = arith.constant 480 : index
      %swap3A_582 = tpu.vector_load %arg5[%swap3A_581] {strides = array<i32>} : memref<2048xi32, #tpu.memory_space<vmem>>, vector<16xi32>,
      tpu.vector_store %arg5[%swap3A_581], %broadcast_in_dim3A_3 {strides = array<i32>} : memref<2048xi32, #tpu.memory_space<vmem>>, vector<16xi32>,
      %get3A_583 = arith.constant 608 : index
      %get3A_584 = tpu.vector_load %arg5[%get3A_583] {strides = array<i32>} : memref<2048xi32, #tpu.memory_space<vmem>>, vector<16xi32>,
      %add3A_585 = arith.addi %add3A_580, %get3A_584 : vector<16xi32>
      %swap3A_586 = arith.constant 608 : index
      %swap3A_587 = tpu.vector_load %arg5[%swap3A_586] {strides = array<i32>} : memref<2048xi32, #tpu.memory_space<vmem>>, vector<16xi32>,
      tpu.vector_store %arg5[%swap3A_586], %broadcast_in_dim3A_3 {strides = array<i32>} : memref<2048xi32, #tpu.memory_space<vmem>>, vector<16xi32>,
      %get3A_588 = arith.constant 736 : index
      %get3A_589 = tpu.vector_load %arg5[%get3A_588] {strides = array<i32>} : memref<2048xi32, #tpu.memory_space<vmem>>, vector<16xi32>,
      %add3A_590 = arith.addi %add3A_585, %get3A_589 : vector<16xi32>
      %swap3A_591 = arith.constant 736 : index
      %swap3A_592 = tpu.vector_load %arg5[%swap3A_591] {strides = array<i32>} : memref<2048xi32, #tpu.memory_space<vmem>>, vector<16xi32>,
      tpu.vector_store %arg5[%swap3A_591], %broadcast_in_dim3A_3 {strides = array<i32>} : memref<2048xi32, #tpu.memory_space<vmem>>, vector<16xi32>,
      %get3A_593 = arith.constant 864 : index
      %get3A_594 = tpu.vector_load %arg5[%get3A_593] {strides = array<i32>} : memref<2048xi32, #tpu.memory_space<vmem>>, vector<16xi32>,
      %add3A_595 = arith.addi %add3A_590, %get3A_594 : vector<16xi32>
      %swap3A_596 = arith.constant 864 : index
      %swap3A_597 = tpu.vector_load %arg5[%swap3A_596] {strides = array<i32>} : memref<2048xi32, #tpu.memory_space<vmem>>, vector<16xi32>,
      tpu.vector_store %arg5[%swap3A_596], %broadcast_in_dim3A_3 {strides = array<i32>} : memref<2048xi32, #tpu.memory_space<vmem>>, vector<16xi32>,
      %get3A_598 = arith.constant 992 : index
      %get3A_599 = tpu.vector_load %arg5[%get3A_598] {strides = array<i32>} : memref<2048xi32, #tpu.memory_space<vmem>>, vector<16xi32>,
      %add3A_600 = arith.addi %add3A_595, %get3A_599 : vector<16xi32>
      %swap3A_601 = arith.constant 992 : index
      %swap3A_602 = tpu.vector_load %arg5[%swap3A_601] {strides = array<i32>} : memref<2048xi32, #tpu.memory_space<vmem>>, vector<16xi32>,
      tpu.vector_store %arg5[%swap3A_601], %broadcast_in_dim3A_3 {strides = array<i32>} : memref<2048xi32, #tpu.memory_space<vmem>>, vector<16xi32>,
      %get3A_603 = arith.constant 1120 : index
      %get3A_604 = tpu.vector_load %arg5[%get3A_603] {strides = array<i32>} : memref<2048xi32, #tpu.memory_space<vmem>>, vector<16xi32>,
      %add3A_605 = arith.addi %add3A_600, %get3A_604 : vector<16xi32>
      %swap3A_606 = arith.constant 1120 : index
      %swap3A_607 = tpu.vector_load %arg5[%swap3A_606] {strides = array<i32>} : memref<2048xi32, #tpu.memory_space<vmem>>, vector<16xi32>,
      tpu.vector_store %arg5[%swap3A_606], %broadcast_in_dim3A_3 {strides = array<i32>} : memref<2048xi32, #tpu.memory_space<vmem>>, vector<16xi32>,
      %get3A_608 = arith.constant 1248 : index
      %get3A_609 = tpu.vector_load %arg5[%get3A_608] {strides = array<i32>} : memref<2048xi32, #tpu.memory_space<vmem>>, vector<16xi32>,
      %add3A_610 = arith.addi %add3A_605, %get3A_609 : vector<16xi32>
      %swap3A_611 = arith.constant 1248 : index
      %swap3A_612 = tpu.vector_load %arg5[%swap3A_611] {strides = array<i32>} : memref<2048xi32, #tpu.memory_space<vmem>>, vector<16xi32>,
      tpu.vector_store %arg5[%swap3A_611], %broadcast_in_dim3A_3 {strides = array<i32>} : memref<2048xi32, #tpu.memory_space<vmem>>, vector<16xi32>,
      %get3A_613 = arith.constant 1376 : index
      %get3A_614 = tpu.vector_load %arg5[%get3A_613] {strides = array<i32>} : memref<2048xi32, #tpu.memory_space<vmem>>, vector<16xi32>,
      %add3A_615 = arith.addi %add3A_610, %get3A_614 : vector<16xi32>
      %swap3A_616 = arith.constant 1376 : index
      %swap3A_617 = tpu.vector_load %arg5[%swap3A_616] {strides = array<i32>} : memref<2048xi32, #tpu.memory_space<vmem>>, vector<16xi32>,
      tpu.vector_store %arg5[%swap3A_616], %broadcast_in_dim3A_3 {strides = array<i32>} : memref<2048xi32, #tpu.memory_space<vmem>>, vector<16xi32>,
      %get3A_618 = arith.constant 1504 : index
      %get3A_619 = tpu.vector_load %arg5[%get3A_618] {strides = array<i32>} : memref<2048xi32, #tpu.memory_space<vmem>>, vector<16xi32>,
      %add3A_620 = arith.addi %add3A_615, %get3A_619 : vector<16xi32>
      %swap3A_621 = arith.constant 1504 : index
      %swap3A_622 = tpu.vector_load %arg5[%swap3A_621] {strides = array<i32>} : memref<2048xi32, #tpu.memory_space<vmem>>, vector<16xi32>,
      tpu.vector_store %arg5[%swap3A_621], %broadcast_in_dim3A_3 {strides = array<i32>} : memref<2048xi32, #tpu.memory_space<vmem>>, vector<16xi32>,
      %get3A_623 = arith.constant 1632 : index
      %get3A_624 = tpu.vector_load %arg5[%get3A_623] {strides = array<i32>} : memref<2048xi32, #tpu.memory_space<vmem>>, vector<16xi32>,
      %add3A_625 = arith.addi %add3A_620, %get3A_624 : vector<16xi32>
      %swap3A_626 = arith.constant 1632 : index
      %swap3A_627 = tpu.vector_load %arg5[%swap3A_626] {strides = array<i32>} : memref<2048xi32, #tpu.memory_space<vmem>>, vector<16xi32>,
      tpu.vector_store %arg5[%swap3A_626], %broadcast_in_dim3A_3 {strides = array<i32>} : memref<2048xi32, #tpu.memory_space<vmem>>, vector<16xi32>,
      %get3A_628 = arith.constant 1760 : index
      %get3A_629 = tpu.vector_load %arg5[%get3A_628] {strides = array<i32>} : memref<2048xi32, #tpu.memory_space<vmem>>, vector<16xi32>,
      %add3A_630 = arith.addi %add3A_625, %get3A_629 : vector<16xi32>
      %swap3A_631 = arith.constant 1760 : index
      %swap3A_632 = tpu.vector_load %arg5[%swap3A_631] {strides = array<i32>} : memref<2048xi32, #tpu.memory_space<vmem>>, vector<16xi32>,
      tpu.vector_store %arg5[%swap3A_631], %broadcast_in_dim3A_3 {strides = array<i32>} : memref<2048xi32, #tpu.memory_space<vmem>>, vector<16xi32>,
      %get3A_633 = arith.constant 1888 : index
      %get3A_634 = tpu.vector_load %arg5[%get3A_633] {strides = array<i32>} : memref<2048xi32, #tpu.memory_space<vmem>>, vector<16xi32>,
      %add3A_635 = arith.addi %add3A_630, %get3A_634 : vector<16xi32>
      %swap3A_636 = arith.constant 1888 : index
      %swap3A_637 = tpu.vector_load %arg5[%swap3A_636] {strides = array<i32>} : memref<2048xi32, #tpu.memory_space<vmem>>, vector<16xi32>,
      tpu.vector_store %arg5[%swap3A_636], %broadcast_in_dim3A_3 {strides = array<i32>} : memref<2048xi32, #tpu.memory_space<vmem>>, vector<16xi32>,
      %get3A_638 = arith.constant 2016 : index
      %get3A_639 = tpu.vector_load %arg5[%get3A_638] {strides = array<i32>} : memref<2048xi32, #tpu.memory_space<vmem>>, vector<16xi32>,
      %add3A_640 = arith.addi %add3A_635, %get3A_639 : vector<16xi32>
      %swap3A_641 = arith.constant 2016 : index
      %swap3A_642 = tpu.vector_load %arg5[%swap3A_641] {strides = array<i32>} : memref<2048xi32, #tpu.memory_space<vmem>>, vector<16xi32>,
      tpu.vector_store %arg5[%swap3A_641], %broadcast_in_dim3A_3 {strides = array<i32>} : memref<2048xi32, #tpu.memory_space<vmem>>, vector<16xi32>,
      %swap3A_643 = arith.constant 96 : index
      %swap3A_644 = tpu.vector_load %arg6[%swap3A_643] {strides = array<i32>} : memref<128xi32, #tpu.memory_space<vmem>>, vector<16xi32>,
      tpu.vector_store %arg6[%swap3A_643], %add3A_640 {strides = array<i32>} : memref<128xi32, #tpu.memory_space<vmem>>, vector<16xi32>,
      %eq3A_645 = arith.constant 14 : i32
      %eq3A_646 = vector.broadcast %eq3A_645 : i32 to vector<16xi32>
      %eq3A_647 = arith.cmpi eq, %iota3A, %eq3A_646 : vector<16xi32>
      %reduce_sum3A_648 = arith.constant true
      %reduce_sum3A_649 = vector.broadcast %reduce_sum3A_648 : i1 to vector<16xi1>
      %reduce_sum3A_650 = tpu.scan <sum>, %add3A_640 masked %reduce_sum3A_649 : vector<16xi32>, vector<16xi1> -> vector<16xi32>
      %reduce_sum3A_651 = vector.extract %reduce_sum3A_650[15] : i32 from vector<16xi32>
      %broadcast_in_dim3A_652 = vector.broadcast %reduce_sum3A_651 : i32 to vector<16xi32>
      %select_n3A_653 = arith.select %eq3A_647, %broadcast_in_dim3A_652, %select_n3A_562 : vector<16xi1>, vector<16xi32>
      %get3A_654 = arith.constant 112 : index
      %get3A_655 = tpu.vector_load %arg5[%get3A_654] {strides = array<i32>} : memref<2048xi32, #tpu.memory_space<vmem>>, vector<16xi32>,
      %add3A_656 = arith.addi %broadcast_in_dim3A_3, %get3A_655 : vector<16xi32>
      %swap3A_657 = arith.constant 112 : index
      %swap3A_658 = tpu.vector_load %arg5[%swap3A_657] {strides = array<i32>} : memref<2048xi32, #tpu.memory_space<vmem>>, vector<16xi32>,
      tpu.vector_store %arg5[%swap3A_657], %broadcast_in_dim3A_3 {strides = array<i32>} : memref<2048xi32, #tpu.memory_space<vmem>>, vector<16xi32>,
      %get3A_659 = arith.constant 240 : index
      %get3A_660 = tpu.vector_load %arg5[%get3A_659] {strides = array<i32>} : memref<2048xi32, #tpu.memory_space<vmem>>, vector<16xi32>,
      %add3A_661 = arith.addi %add3A_656, %get3A_660 : vector<16xi32>
      %swap3A_662 = arith.constant 240 : index
      %swap3A_663 = tpu.vector_load %arg5[%swap3A_662] {strides = array<i32>} : memref<2048xi32, #tpu.memory_space<vmem>>, vector<16xi32>,
      tpu.vector_store %arg5[%swap3A_662], %broadcast_in_dim3A_3 {strides = array<i32>} : memref<2048xi32, #tpu.memory_space<vmem>>, vector<16xi32>,
      %get3A_664 = arith.constant 368 : index
      %get3A_665 = tpu.vector_load %arg5[%get3A_664] {strides = array<i32>} : memref<2048xi32, #tpu.memory_space<vmem>>, vector<16xi32>,
      %add3A_666 = arith.addi %add3A_661, %get3A_665 : vector<16xi32>
      %swap3A_667 = arith.constant 368 : index
      %swap3A_668 = tpu.vector_load %arg5[%swap3A_667] {strides = array<i32>} : memref<2048xi32, #tpu.memory_space<vmem>>, vector<16xi32>,
      tpu.vector_store %arg5[%swap3A_667], %broadcast_in_dim3A_3 {strides = array<i32>} : memref<2048xi32, #tpu.memory_space<vmem>>, vector<16xi32>,
      %get3A_669 = arith.constant 496 : index
      %get3A_670 = tpu.vector_load %arg5[%get3A_669] {strides = array<i32>} : memref<2048xi32, #tpu.memory_space<vmem>>, vector<16xi32>,
      %add3A_671 = arith.addi %add3A_666, %get3A_670 : vector<16xi32>
      %swap3A_672 = arith.constant 496 : index
      %swap3A_673 = tpu.vector_load %arg5[%swap3A_672] {strides = array<i32>} : memref<2048xi32, #tpu.memory_space<vmem>>, vector<16xi32>,
      tpu.vector_store %arg5[%swap3A_672], %broadcast_in_dim3A_3 {strides = array<i32>} : memref<2048xi32, #tpu.memory_space<vmem>>, vector<16xi32>,
      %get3A_674 = arith.constant 624 : index
      %get3A_675 = tpu.vector_load %arg5[%get3A_674] {strides = array<i32>} : memref<2048xi32, #tpu.memory_space<vmem>>, vector<16xi32>,
      %add3A_676 = arith.addi %add3A_671, %get3A_675 : vector<16xi32>
      %swap3A_677 = arith.constant 624 : index
      %swap3A_678 = tpu.vector_load %arg5[%swap3A_677] {strides = array<i32>} : memref<2048xi32, #tpu.memory_space<vmem>>, vector<16xi32>,
      tpu.vector_store %arg5[%swap3A_677], %broadcast_in_dim3A_3 {strides = array<i32>} : memref<2048xi32, #tpu.memory_space<vmem>>, vector<16xi32>,
      %get3A_679 = arith.constant 752 : index
      %get3A_680 = tpu.vector_load %arg5[%get3A_679] {strides = array<i32>} : memref<2048xi32, #tpu.memory_space<vmem>>, vector<16xi32>,
      %add3A_681 = arith.addi %add3A_676, %get3A_680 : vector<16xi32>
      %swap3A_682 = arith.constant 752 : index
      %swap3A_683 = tpu.vector_load %arg5[%swap3A_682] {strides = array<i32>} : memref<2048xi32, #tpu.memory_space<vmem>>, vector<16xi32>,
      tpu.vector_store %arg5[%swap3A_682], %broadcast_in_dim3A_3 {strides = array<i32>} : memref<2048xi32, #tpu.memory_space<vmem>>, vector<16xi32>,
      %get3A_684 = arith.constant 880 : index
      %get3A_685 = tpu.vector_load %arg5[%get3A_684] {strides = array<i32>} : memref<2048xi32, #tpu.memory_space<vmem>>, vector<16xi32>,
      %add3A_686 = arith.addi %add3A_681, %get3A_685 : vector<16xi32>
      %swap3A_687 = arith.constant 880 : index
      %swap3A_688 = tpu.vector_load %arg5[%swap3A_687] {strides = array<i32>} : memref<2048xi32, #tpu.memory_space<vmem>>, vector<16xi32>,
      tpu.vector_store %arg5[%swap3A_687], %broadcast_in_dim3A_3 {strides = array<i32>} : memref<2048xi32, #tpu.memory_space<vmem>>, vector<16xi32>,
      %get3A_689 = arith.constant 1008 : index
      %get3A_690 = tpu.vector_load %arg5[%get3A_689] {strides = array<i32>} : memref<2048xi32, #tpu.memory_space<vmem>>, vector<16xi32>,
      %add3A_691 = arith.addi %add3A_686, %get3A_690 : vector<16xi32>
      %swap3A_692 = arith.constant 1008 : index
      %swap3A_693 = tpu.vector_load %arg5[%swap3A_692] {strides = array<i32>} : memref<2048xi32, #tpu.memory_space<vmem>>, vector<16xi32>,
      tpu.vector_store %arg5[%swap3A_692], %broadcast_in_dim3A_3 {strides = array<i32>} : memref<2048xi32, #tpu.memory_space<vmem>>, vector<16xi32>,
      %get3A_694 = arith.constant 1136 : index
      %get3A_695 = tpu.vector_load %arg5[%get3A_694] {strides = array<i32>} : memref<2048xi32, #tpu.memory_space<vmem>>, vector<16xi32>,
      %add3A_696 = arith.addi %add3A_691, %get3A_695 : vector<16xi32>
      %swap3A_697 = arith.constant 1136 : index
      %swap3A_698 = tpu.vector_load %arg5[%swap3A_697] {strides = array<i32>} : memref<2048xi32, #tpu.memory_space<vmem>>, vector<16xi32>,
      tpu.vector_store %arg5[%swap3A_697], %broadcast_in_dim3A_3 {strides = array<i32>} : memref<2048xi32, #tpu.memory_space<vmem>>, vector<16xi32>,
      %get3A_699 = arith.constant 1264 : index
      %get3A_700 = tpu.vector_load %arg5[%get3A_699] {strides = array<i32>} : memref<2048xi32, #tpu.memory_space<vmem>>, vector<16xi32>,
      %add3A_701 = arith.addi %add3A_696, %get3A_700 : vector<16xi32>
      %swap3A_702 = arith.constant 1264 : index
      %swap3A_703 = tpu.vector_load %arg5[%swap3A_702] {strides = array<i32>} : memref<2048xi32, #tpu.memory_space<vmem>>, vector<16xi32>,
      tpu.vector_store %arg5[%swap3A_702], %broadcast_in_dim3A_3 {strides = array<i32>} : memref<2048xi32, #tpu.memory_space<vmem>>, vector<16xi32>,
      %get3A_704 = arith.constant 1392 : index
      %get3A_705 = tpu.vector_load %arg5[%get3A_704] {strides = array<i32>} : memref<2048xi32, #tpu.memory_space<vmem>>, vector<16xi32>,
      %add3A_706 = arith.addi %add3A_701, %get3A_705 : vector<16xi32>
      %swap3A_707 = arith.constant 1392 : index
      %swap3A_708 = tpu.vector_load %arg5[%swap3A_707] {strides = array<i32>} : memref<2048xi32, #tpu.memory_space<vmem>>, vector<16xi32>,
      tpu.vector_store %arg5[%swap3A_707], %broadcast_in_dim3A_3 {strides = array<i32>} : memref<2048xi32, #tpu.memory_space<vmem>>, vector<16xi32>,
      %get3A_709 = arith.constant 1520 : index
      %get3A_710 = tpu.vector_load %arg5[%get3A_709] {strides = array<i32>} : memref<2048xi32, #tpu.memory_space<vmem>>, vector<16xi32>,
      %add3A_711 = arith.addi %add3A_706, %get3A_710 : vector<16xi32>
      %swap3A_712 = arith.constant 1520 : index
      %swap3A_713 = tpu.vector_load %arg5[%swap3A_712] {strides = array<i32>} : memref<2048xi32, #tpu.memory_space<vmem>>, vector<16xi32>,
      tpu.vector_store %arg5[%swap3A_712], %broadcast_in_dim3A_3 {strides = array<i32>} : memref<2048xi32, #tpu.memory_space<vmem>>, vector<16xi32>,
      %get3A_714 = arith.constant 1648 : index
      %get3A_715 = tpu.vector_load %arg5[%get3A_714] {strides = array<i32>} : memref<2048xi32, #tpu.memory_space<vmem>>, vector<16xi32>,
      %add3A_716 = arith.addi %add3A_711, %get3A_715 : vector<16xi32>
      %swap3A_717 = arith.constant 1648 : index
      %swap3A_718 = tpu.vector_load %arg5[%swap3A_717] {strides = array<i32>} : memref<2048xi32, #tpu.memory_space<vmem>>, vector<16xi32>,
      tpu.vector_store %arg5[%swap3A_717], %broadcast_in_dim3A_3 {strides = array<i32>} : memref<2048xi32, #tpu.memory_space<vmem>>, vector<16xi32>,
      %get3A_719 = arith.constant 1776 : index
      %get3A_720 = tpu.vector_load %arg5[%get3A_719] {strides = array<i32>} : memref<2048xi32, #tpu.memory_space<vmem>>, vector<16xi32>,
      %add3A_721 = arith.addi %add3A_716, %get3A_720 : vector<16xi32>
      %swap3A_722 = arith.constant 1776 : index
      %swap3A_723 = tpu.vector_load %arg5[%swap3A_722] {strides = array<i32>} : memref<2048xi32, #tpu.memory_space<vmem>>, vector<16xi32>,
      tpu.vector_store %arg5[%swap3A_722], %broadcast_in_dim3A_3 {strides = array<i32>} : memref<2048xi32, #tpu.memory_space<vmem>>, vector<16xi32>,
      %get3A_724 = arith.constant 1904 : index
      %get3A_725 = tpu.vector_load %arg5[%get3A_724] {strides = array<i32>} : memref<2048xi32, #tpu.memory_space<vmem>>, vector<16xi32>,
      %add3A_726 = arith.addi %add3A_721, %get3A_725 : vector<16xi32>
      %swap3A_727 = arith.constant 1904 : index
      %swap3A_728 = tpu.vector_load %arg5[%swap3A_727] {strides = array<i32>} : memref<2048xi32, #tpu.memory_space<vmem>>, vector<16xi32>,
      tpu.vector_store %arg5[%swap3A_727], %broadcast_in_dim3A_3 {strides = array<i32>} : memref<2048xi32, #tpu.memory_space<vmem>>, vector<16xi32>,
      %get3A_729 = arith.constant 2032 : index
      %get3A_730 = tpu.vector_load %arg5[%get3A_729] {strides = array<i32>} : memref<2048xi32, #tpu.memory_space<vmem>>, vector<16xi32>,
      %add3A_731 = arith.addi %add3A_726, %get3A_730 : vector<16xi32>
      %swap3A_732 = arith.constant 2032 : index
      %swap3A_733 = tpu.vector_load %arg5[%swap3A_732] {strides = array<i32>} : memref<2048xi32, #tpu.memory_space<vmem>>, vector<16xi32>,
      tpu.vector_store %arg5[%swap3A_732], %broadcast_in_dim3A_3 {strides = array<i32>} : memref<2048xi32, #tpu.memory_space<vmem>>, vector<16xi32>,
      %swap3A_734 = arith.constant 112 : index
      %swap3A_735 = tpu.vector_load %arg6[%swap3A_734] {strides = array<i32>} : memref<128xi32, #tpu.memory_space<vmem>>, vector<16xi32>,
      tpu.vector_store %arg6[%swap3A_734], %add3A_731 {strides = array<i32>} : memref<128xi32, #tpu.memory_space<vmem>>, vector<16xi32>,
      %eq3A_736 = arith.constant 15 : i32
      %eq3A_737 = vector.broadcast %eq3A_736 : i32 to vector<16xi32>
      %eq3A_738 = arith.cmpi eq, %iota3A, %eq3A_737 : vector<16xi32>
      %reduce_sum3A_739 = arith.constant true
      %reduce_sum3A_740 = vector.broadcast %reduce_sum3A_739 : i1 to vector<16xi1>
      %reduce_sum3A_741 = tpu.scan <sum>, %add3A_731 masked %reduce_sum3A_740 : vector<16xi32>, vector<16xi1> -> vector<16xi32>
      %reduce_sum3A_742 = vector.extract %reduce_sum3A_741[15] : i32 from vector<16xi32>
      %broadcast_in_dim3A_743 = vector.broadcast %reduce_sum3A_742 : i32 to vector<16xi32>
      %select_n3A_744 = arith.select %eq3A_738, %broadcast_in_dim3A_743, %select_n3A_653 : vector<16xi1>, vector<16xi32>
      %rev3A = arith.constant 15 : i32
      %rev3A_745 = vector.broadcast %rev3A : i32 to vector<16xi32>
      %rev3A_746 = tpu.iota {dimensions = array<i32: 0>} : vector<16xi32>
      %rev3A_747 = arith.subi %rev3A_745, %rev3A_746 : vector<16xi32>
      %rev3A_748 = tpu.dynamic_gather %select_n3A_744[%rev3A_747] in [0] : vector<16xi32>, vector<16xi32> -> vector<16xi32>
      %broadcast_in_dim3A_749 = arith.constant true
      %broadcast_in_dim3A_750 = vector.broadcast %broadcast_in_dim3A_749 : i1 to vector<16xi1>
      %masked_cumsum3A = tpu.scan <sum>, %rev3A_748 masked %broadcast_in_dim3A_750 : vector<16xi32>, vector<16xi1> -> vector<16xi32>
      %sub3A = arith.subi %masked_cumsum3A, %rev3A_748 : vector<16xi32>
      %ge3A = arith.constant 204 : i32
      %ge3A_751 = vector.broadcast %ge3A : i32 to vector<16xi32>
      %ge3A_752 = arith.cmpi sge, %masked_cumsum3A, %ge3A_751 : vector<16xi32>
      %all_reduce_ffs3A = tpu.all_reduce %ge3A_752 {dim = 0 : i64, kind = #tpu.reduction_kind<find_first_set>} : vector<16xi1> -> vector<16xi32>
      %iota3A_753 = tpu.iota {dimensions = array<i32: 0>} : vector<16xi32>
      %eq3A_754 = arith.cmpi eq, %iota3A_753, %all_reduce_ffs3A : vector<16xi32>
      %jit3A = arith.constant 0 : i32
      %broadcast_in_dim3A_755 = vector.broadcast %jit3A : i32 to vector<16xi32>
      %select_n3A_756 = arith.select %eq3A_754, %iota3A, %broadcast_in_dim3A_755 : vector<16xi1>, vector<16xi32>
      %reduce_sum3A_757 = arith.constant true
      %reduce_sum3A_758 = vector.broadcast %reduce_sum3A_757 : i1 to vector<16xi1>
      %reduce_sum3A_759 = tpu.scan <sum>, %select_n3A_756 masked %reduce_sum3A_758 : vector<16xi32>, vector<16xi1> -> vector<16xi32>
      %reduce_sum3A_760 = vector.extract %reduce_sum3A_759[15] : i32 from vector<16xi32>
      %sub3A_761 = arith.constant 7 : i32
      %sub3A_762 = arith.subi %sub3A_761, %reduce_sum3A_760 : i32
      %iota3A_763 = tpu.iota {dimensions = array<i32: 0>} : vector<16xi32>
      %eq3A_764 = arith.cmpi eq, %iota3A_763, %all_reduce_ffs3A : vector<16xi32>
      %jit3A_765 = arith.constant 0 : i32
      %broadcast_in_dim3A_766 = vector.broadcast %jit3A_765 : i32 to vector<16xi32>
      %select_n3A_767 = arith.select %eq3A_764, %sub3A, %broadcast_in_dim3A_766 : vector<16xi1>, vector<16xi32>
      %reduce_sum3A_768 = arith.constant true
      %reduce_sum3A_769 = vector.broadcast %reduce_sum3A_768 : i1 to vector<16xi1>
      %reduce_sum3A_770 = tpu.scan <sum>, %select_n3A_767 masked %reduce_sum3A_769 : vector<16xi32>, vector<16xi1> -> vector<16xi32>
      %reduce_sum3A_771 = vector.extract %reduce_sum3A_770[15] : i32 from vector<16xi32>
      %mul3A_772 = arith.constant 16 : i32
      %mul3A_773 = arith.muli %sub3A_762, %mul3A_772 : i32
      %get3A_774 = arith.index_cast %mul3A_773 : i32 to index
      %get3A_775 = tpu.vector_load %arg6[%get3A_774] {strides = array<i32>} : memref<128xi32, #tpu.memory_space<vmem>>, vector<16xi32>,
      %rev3A_776 = arith.constant 15 : i32
      %rev3A_777 = vector.broadcast %rev3A_776 : i32 to vector<16xi32>
      %rev3A_778 = tpu.iota {dimensions = array<i32: 0>} : vector<16xi32>
      %rev3A_779 = arith.subi %rev3A_777, %rev3A_778 : vector<16xi32>
      %rev3A_780 = tpu.dynamic_gather %get3A_775[%rev3A_779] in [0] : vector<16xi32>, vector<16xi32> -> vector<16xi32>
      %broadcast_in_dim3A_781 = arith.constant true
      %broadcast_in_dim3A_782 = vector.broadcast %broadcast_in_dim3A_781 : i1 to vector<16xi1>
      %masked_cumsum3A_783 = tpu.scan <sum>, %rev3A_780 masked %broadcast_in_dim3A_782 : vector<16xi32>, vector<16xi1> -> vector<16xi32>
      %add3A_784 = vector.broadcast %reduce_sum3A_771 : i32 to vector<16xi32>
      %add3A_785 = arith.addi %add3A_784, %masked_cumsum3A_783 : vector<16xi32>
      %ge3A_786 = arith.constant 204 : i32
      %ge3A_787 = vector.broadcast %ge3A_786 : i32 to vector<16xi32>
      %ge3A_788 = arith.cmpi sge, %add3A_785, %ge3A_787 : vector<16xi32>
      %all_reduce_ffs3A_789 = tpu.all_reduce %ge3A_788 {dim = 0 : i64, kind = #tpu.reduction_kind<find_first_set>} : vector<16xi1> -> vector<16xi32>
      %iota3A_790 = tpu.iota {dimensions = array<i32: 0>} : vector<16xi32>
      %eq3A_791 = arith.cmpi eq, %iota3A_790, %all_reduce_ffs3A_789 : vector<16xi32>
      %jit3A_792 = arith.constant 0 : i32
      %broadcast_in_dim3A_793 = vector.broadcast %jit3A_792 : i32 to vector<16xi32>
      %select_n3A_794 = arith.select %eq3A_791, %iota3A, %broadcast_in_dim3A_793 : vector<16xi1>, vector<16xi32>
      %reduce_sum3A_795 = arith.constant true
      %reduce_sum3A_796 = vector.broadcast %reduce_sum3A_795 : i1 to vector<16xi1>
      %reduce_sum3A_797 = tpu.scan <sum>, %select_n3A_794 masked %reduce_sum3A_796 : vector<16xi32>, vector<16xi1> -> vector<16xi32>
      %reduce_sum3A_798 = vector.extract %reduce_sum3A_797[15] : i32 from vector<16xi32>
      %mul3A_799 = arith.constant 16 : i32
      %mul3A_800 = arith.muli %sub3A_762, %mul3A_799 : i32
      %add3A_801 = arith.constant 15 : i32
      %add3A_802 = arith.addi %mul3A_800, %add3A_801 : i32
      %sub3A_803 = arith.subi %add3A_802, %reduce_sum3A_798 : i32
      %iota3A_804 = tpu.iota {dimensions = array<i32: 0>} : vector<16xi32>
      %eq3A_805 = arith.cmpi eq, %iota3A_804, %all_reduce_ffs3A_789 : vector<16xi32>
      %jit3A_806 = arith.constant 0 : i32
      %broadcast_in_dim3A_807 = vector.broadcast %jit3A_806 : i32 to vector<16xi32>
      %select_n3A_808 = arith.select %eq3A_805, %masked_cumsum3A_783, %broadcast_in_dim3A_807 : vector<16xi1>, vector<16xi32>
      %reduce_sum3A_809 = arith.constant true
      %reduce_sum3A_810 = vector.broadcast %reduce_sum3A_809 : i1 to vector<16xi1>
      %reduce_sum3A_811 = tpu.scan <sum>, %select_n3A_808 masked %reduce_sum3A_810 : vector<16xi32>, vector<16xi1> -> vector<16xi32>
      %reduce_sum3A_812 = vector.extract %reduce_sum3A_811[15] : i32 from vector<16xi32>
      %add3A_813 = arith.addi %reduce_sum3A_771, %reduce_sum3A_812 : i32
      %iota3A_814 = tpu.iota {dimensions = array<i32: 0>} : vector<16xi32>
      %eq3A_815 = arith.cmpi eq, %iota3A_814, %all_reduce_ffs3A_789 : vector<16xi32>
      %jit3A_816 = arith.constant 0 : i32
      %broadcast_in_dim3A_817 = vector.broadcast %jit3A_816 : i32 to vector<16xi32>
      %select_n3A_818 = arith.select %eq3A_815, %rev3A_780, %broadcast_in_dim3A_817 : vector<16xi1>, vector<16xi32>
      %reduce_sum3A_819 = arith.constant true
      %reduce_sum3A_820 = vector.broadcast %reduce_sum3A_819 : i1 to vector<16xi1>
      %reduce_sum3A_821 = tpu.scan <sum>, %select_n3A_818 masked %reduce_sum3A_820 : vector<16xi32>, vector<16xi1> -> vector<16xi32>
      %reduce_sum3A_822 = vector.extract %reduce_sum3A_821[15] : i32 from vector<16xi32>
      %sub3A_823 = arith.subi %add3A_813, %reduce_sum3A_822 : i32
      %sub3A_824 = arith.constant 204 : i32
      %sub3A_825 = arith.subi %sub3A_824, %sub3A_823 : i32
      %parallel_loop3A_826 = arith.constant 0 : i32
      %parallel_loop3A_827 = arith.constant 128 : i32
      %parallel_loop3A_828 = arith.constant 1 : i32
      %parallel_loop3A_829 = scf.for %parallel_loop3A_859 = %parallel_loop3A_826 to %parallel_loop3A_827 step %parallel_loop3A_828 iter_args(%parallel_loop3A_860 = %broadcast_in_dim3A_3) -> (vector<16xi32>)  : i32 {
        %parallel_loop3A_861 = arith.constant 16 : i32
        %parallel_loop3A_862 = arith.muli %parallel_loop3A_859, %parallel_loop3A_861 : i32
        %parallel_loop3A_863 = arith.index_cast %scan3A_14 : i32 to index
        %parallel_loop3A_864 = arith.index_cast %parallel_loop3A_862 : i32 to index
        %parallel_loop3A_865 = tpu.vector_load %arg4[%parallel_loop3A_863, %parallel_loop3A_864] {strides = array<i32>} : memref<32x2048xi32, #tpu.memory_space<vmem>>, vector<16xi32>,
        %parallel_loop3A_866 = arith.constant 23 : i32
        %parallel_loop3A_867 = vector.broadcast %parallel_loop3A_866 : i32 to vector<16xi32>
        %parallel_loop3A_868 = arith.shrui %parallel_loop3A_865, %parallel_loop3A_867 : vector<16xi32>
        %parallel_loop3A_869 = vector.broadcast %sub3A_803 : i32 to vector<16xi32>
        %parallel_loop3A_870 = arith.cmpi eq, %parallel_loop3A_868, %parallel_loop3A_869 : vector<16xi32>
        %parallel_loop3A_871 = arith.extui %parallel_loop3A_870 : vector<16xi1> to vector<16xi32>
        %parallel_loop3A_872 = arith.constant true
        %parallel_loop3A_873 = vector.broadcast %parallel_loop3A_872 : i1 to vector<16xi1>
        %parallel_loop3A_874 = tpu.scan <sum>, %parallel_loop3A_871 masked %parallel_loop3A_873 : vector<16xi32>, vector<16xi1> -> vector<16xi32>
        %parallel_loop3A_875 = arith.subi %parallel_loop3A_874, %parallel_loop3A_871 : vector<16xi32>
        %parallel_loop3A_876 = arith.addi %parallel_loop3A_860, %parallel_loop3A_875 : vector<16xi32>
        tpu.vector_store_idx %arg7[%parallel_loop3A_876], %parallel_loop3A_865 masked %parallel_loop3A_870 : memref<2080xi32, #tpu.memory_space<vmem>>[vector<16xi32>], vector<16xi32>, vector<16xi1>
        %parallel_loop3A_877 = tpu.all_reduce %parallel_loop3A_870 {dim = 0 : i64, kind = #tpu.reduction_kind<sum>} : vector<16xi1> -> vector<16xi32>
        %parallel_loop3A_878 = arith.addi %parallel_loop3A_860, %parallel_loop3A_877 : vector<16xi32>
        scf.yield %parallel_loop3A_878 : vector<16xi32>
      } {sc.loop_unroll_factor = 4 : i64, sc.parallel_access}
      %eq3A_830 = arith.constant 0 : i32
      %eq3A_831 = vector.broadcast %eq3A_830 : i32 to vector<16xi32>
      %eq3A_832 = arith.cmpi eq, %iota3A, %eq3A_831 : vector<16xi32>
      %jit3A_833 = arith.constant 0 : i32
      %broadcast_in_dim3A_834 = vector.broadcast %jit3A_833 : i32 to vector<16xi32>
      %select_n3A_835 = arith.select %eq3A_832, %parallel_loop3A_829, %broadcast_in_dim3A_834 : vector<16xi1>, vector<16xi32>
      %reduce_sum3A_836 = arith.constant true
      %reduce_sum3A_837 = vector.broadcast %reduce_sum3A_836 : i1 to vector<16xi1>
      %reduce_sum3A_838 = tpu.scan <sum>, %select_n3A_835 masked %reduce_sum3A_837 : vector<16xi32>, vector<16xi1> -> vector<16xi32>
      %reduce_sum3A_839 = vector.extract %reduce_sum3A_838[15] : i32 from vector<16xi32>
      %swap3A_840 = arith.index_cast %reduce_sum3A_839 : i32 to index
      %swap3A_841 = tpu.vector_load %arg7[%swap3A_840] {strides = array<i32>} : memref<2080xi32, #tpu.memory_space<vmem>>, vector<16xi32>,
      tpu.vector_store %arg7[%swap3A_840], %broadcast_in_dim3A_3 {strides = array<i32>} : memref<2080xi32, #tpu.memory_space<vmem>>, vector<16xi32>,
      %add3A_842 = arith.constant 15 : i32
      %add3A_843 = arith.addi %reduce_sum3A_839, %add3A_842 : i32
      %shift_right_logical3A = arith.constant 4 : i32
      %shift_right_logical3A_844 = arith.shrui %add3A_843, %shift_right_logical3A : i32
      %shift_left3A = arith.constant 23 : i32
      %shift_left3A_845 = arith.shli %sub3A_803, %shift_left3A : i32
      %scan3A_846 = arith.constant 0 : i32
      %scan3A_847 = arith.constant 0 : i32
      %scan3A_848 = arith.constant 23 : i32
      %scan3A_849 = arith.addi %scan3A_847, %scan3A_848 : i32
      %scan3A_850 = arith.constant 1 : i32
      %scan3A_851 = scf.for %scan3A_859 = %scan3A_847 to %scan3A_849 step %scan3A_850 iter_args(%scan3A_860 = %scan3A_846) -> (i32)  : i32 {
        %sub3A_861 = arith.constant 22 : i32
        %sub3A_862 = arith.subi %sub3A_861, %scan3A_859 : i32
        %shift_left3A_863 = arith.constant 1 : i32
        %shift_left3A_864 = arith.shli %shift_left3A_863, %sub3A_862 : i32
        %or3A_865 = arith.ori %scan3A_860, %shift_left3A_864 : i32
        %or3A_866 = arith.ori %shift_left3A_845, %or3A_865 : i32
        %while3A = arith.constant 0 : i32
        %while3A_867 = arith.subi %shift_right_logical3A_844, %while3A : i32
        %while3A_868 = arith.addi %while3A, %while3A_867 : i32
        %while3A_869 = arith.constant 1 : i32
        %while3A_870 = arith.divsi %while3A_867, %while3A_869 : i32
        %while3A_871 = arith.muli %while3A_870, %while3A_869 : i32
        %while3A_872 = arith.addi %while3A, %while3A_871 : i32
        %while3A_873 = arith.constant 1 : i32
        %while3A_874 = scf.for %while3A_883 = %while3A to %while3A_872 step %while3A_873 iter_args(%while3A_884 = %broadcast_in_dim3A_3) -> (vector<16xi32>)  : i32 {
          %mul3A_885 = arith.constant 16 : i32
          %mul3A_886 = arith.muli %while3A_883, %mul3A_885 : i32
          %get3A_887 = arith.index_cast %mul3A_886 : i32 to index
          %get3A_888 = tpu.vector_load %arg7[%get3A_887] {strides = array<i32>} : memref<2080xi32, #tpu.memory_space<vmem>>, vector<16xi32>,
          %ge3A_889 = vector.broadcast %or3A_866 : i32 to vector<16xi32>
          %ge3A_890 = arith.cmpi sge, %get3A_888, %ge3A_889 : vector<16xi32>
          %convert_element_type3A = arith.extui %ge3A_890 : vector<16xi1> to vector<16xi32>
          %add3A_891 = arith.addi %while3A_884, %convert_element_type3A : vector<16xi32>
          scf.yield %add3A_891 : vector<16xi32>
        }
        %while3A_875 = arith.constant 1 : i32
        %while3A_876 = scf.for %while3A_883 = %while3A_872 to %while3A_868 step %while3A_875 iter_args(%while3A_884 = %while3A_874) -> (vector<16xi32>)  : i32 {
          %mul3A_885 = arith.constant 16 : i32
          %mul3A_886 = arith.muli %while3A_883, %mul3A_885 : i32
          %get3A_887 = arith.index_cast %mul3A_886 : i32 to index
          %get3A_888 = tpu.vector_load %arg7[%get3A_887] {strides = array<i32>} : memref<2080xi32, #tpu.memory_space<vmem>>, vector<16xi32>,
          %ge3A_889 = vector.broadcast %or3A_866 : i32 to vector<16xi32>
          %ge3A_890 = arith.cmpi sge, %get3A_888, %ge3A_889 : vector<16xi32>
          %convert_element_type3A = arith.extui %ge3A_890 : vector<16xi1> to vector<16xi32>
          %add3A_891 = arith.addi %while3A_884, %convert_element_type3A : vector<16xi32>
          scf.yield %add3A_891 : vector<16xi32>
        }
        %reduce_sum3A_877 = arith.constant true
        %reduce_sum3A_878 = vector.broadcast %reduce_sum3A_877 : i1 to vector<16xi1>
        %reduce_sum3A_879 = tpu.scan <sum>, %while3A_876 masked %reduce_sum3A_878 : vector<16xi32>, vector<16xi1> -> vector<16xi32>
        %reduce_sum3A_880 = vector.extract %reduce_sum3A_879[15] : i32 from vector<16xi32>
        %ge3A_881 = arith.cmpi sge, %reduce_sum3A_880, %sub3A_825 : i32
        %select_n3A_882 = arith.select %ge3A_881, %or3A_865, %scan3A_860 : i32
        scf.yield %select_n3A_882 : i32
      }
      %scan3A_852 = arith.constant 23 : i32
      %or3A = arith.ori %shift_left3A_845, %scan3A_851 : i32
      %broadcast_in_dim3A_853 = vector.broadcast %scan3A_14 : i32 to vector<16xi32>
      %broadcast_in_dim3A_854 = vector.broadcast %or3A : i32 to vector<16xi32>
      %eq3A_855 = arith.constant 0 : i32
      %eq3A_856 = vector.broadcast %eq3A_855 : i32 to vector<16xi32>
      %eq3A_857 = arith.cmpi eq, %iota3A, %eq3A_856 : vector<16xi32>
      tpu.vector_store_idx %arg8[%broadcast_in_dim3A_853], %broadcast_in_dim3A_854 masked %eq3A_857 : memref<32xi32, #tpu.memory_space<vmem>>[vector<16xi32>], vector<16xi32>, vector<16xi1>
      %scan3A_858 = arith.constant 0 : i32
      scf.yield %scan3A_858 : i32
    }
    %scan3A_13 = arith.constant 32 : i32
    "tpu.region"() ({
      %run_scoped3A = tpu.sem_alloc : memref<!tpu.dma_semaphore, #tpu.memory_space<semaphore_mem>>
      %dma_start3A = tpu.memref_slice %arg3[%mul3A_2] : memref<1024xi32, #tpu.memory_space<hbm>> -> memref<32xi32, #tpu.memory_space<hbm>>
      %dma_start3A_14 = tpu.memref_slice %arg3[%mul3A_2] : memref<1024xi32, #tpu.memory_space<hbm>> -> memref<32xi32, #tpu.memory_space<hbm>>
      tpu.enqueue_dma source(%arg8 : memref<32xi32, #tpu.memory_space<vmem>>) target(%dma_start3A_14 : memref<32xi32, #tpu.memory_space<hbm>>) target_semaphore(%run_scoped3A : memref<!tpu.dma_semaphore, #tpu.memory_space<semaphore_mem>>)
      %dma_wait3A = tpu.memref_slice %arg3[%mul3A_2] : memref<1024xi32, #tpu.memory_space<hbm>> -> memref<32xi32, #tpu.memory_space<hbm>>
      %dma_wait3A_15 = tpu.memref_slice %arg3[%mul3A_2] : memref<1024xi32, #tpu.memory_space<hbm>> -> memref<32xi32, #tpu.memory_space<hbm>>
      tpu.wait_dma2 semaphore(%run_scoped3A : memref<!tpu.dma_semaphore, #tpu.memory_space<semaphore_mem>>) src(%arg8 : memref<32xi32, #tpu.memory_space<vmem>>) dst(%dma_wait3A_15 : memref<32xi32, #tpu.memory_space<hbm>>)
      tpu.yield
    }) : () -> ()
    return
  }
}

module attributes {stable_mosaic.version = 14 : i64} {
  func.func @_tc1_body(%arg0: i32, %arg1: memref<256x104xf32, #tpu.memory_space<vmem>>, %arg2: memref<1x104xf32, #tpu.memory_space<vmem>>, %arg3: memref<1x104xf32, #tpu.memory_space<vmem>>, %arg4: memref<2048x104xi32, #tpu.memory_space<vmem>>, %arg5: memref<256x2048xi32, #tpu.memory_space<vmem>>, %arg6: memref<2048x104xf32, #tpu.memory_space<vmem>>) attributes {dimension_semantics = [#tpu.dimension_semantics<arbitrary>], iteration_bounds = array<i64: 4>, scalar_prefetch = 0 : i64, scratch_operands = 1 : i64, tpu.core_type = #tpu.core_type<tc>, window_params = [{transform_indices = @transform_0, window_bounds = array<i64: 256, 104>}, {pipeline_mode = #tpu.pipeline_mode<synchronous>, transform_indices = @transform_1, window_bounds = array<i64: 1, 104>}, {pipeline_mode = #tpu.pipeline_mode<synchronous>, transform_indices = @transform_2, window_bounds = array<i64: 1, 104>}, {pipeline_mode = #tpu.pipeline_mode<synchronous>, transform_indices = @transform_3, window_bounds = array<i64: 2048, 104>}, {transform_indices = @transform_4, window_bounds = array<i64: 256, 2048>}]} {
    %eq3A = arith.constant 0 : i32
    %eq3A_0 = arith.cmpi eq, %arg0, %eq3A : i32
    %convert_element_type3A = arith.extui %eq3A_0 : i1 to i32
    %cond3A = arith.constant 0 : i32
    %cond3A_1 = arith.cmpi ne, %convert_element_type3A, %cond3A : i32
    scf.if %cond3A_1 {
      %iota3A = tpu.iota {dimensions = array<i32: 1>} : vector<2048x104xi32>
      %jit3A = arith.constant 4 : i32
      %eq3A_27 = arith.constant 0 : i32
      %eq3A_28 = arith.cmpi eq, %jit3A, %eq3A_27 : i32
      %jit3A_29 = arith.constant 1 : i32
      %select_n3A = arith.select %eq3A_28, %jit3A_29, %jit3A : i32
      %rem3A = vector.broadcast %select_n3A : i32 to vector<2048x104xi32>
      %rem3A_30 = arith.remsi %iota3A, %rem3A : vector<2048x104xi32>
      %ne3A = arith.constant 0 : i32
      %ne3A_31 = vector.broadcast %ne3A : i32 to vector<2048x104xi32>
      %ne3A_32 = arith.cmpi ne, %rem3A_30, %ne3A_31 : vector<2048x104xi32>
      %lt3A = arith.constant 0 : i32
      %lt3A_33 = vector.broadcast %lt3A : i32 to vector<2048x104xi32>
      %lt3A_34 = arith.cmpi slt, %rem3A_30, %lt3A_33 : vector<2048x104xi32>
      %lt3A_35 = arith.constant 0 : i32
      %lt3A_36 = arith.cmpi slt, %select_n3A, %lt3A_35 : i32
      %ne3A_37 = vector.broadcast %lt3A_36 : i1 to vector<2048x104xi1>
      %ne3A_38 = vector.broadcast %ne3A_37 : vector<2048x104xi1> to vector<2048x104xi1>
      %ne3A_39 = arith.xori %lt3A_34, %ne3A_38 : vector<2048x104xi1>
      %and3A = arith.andi %ne3A_39, %ne3A_32 : vector<2048x104xi1>
      %add3A = vector.broadcast %select_n3A : i32 to vector<2048x104xi32>
      %add3A_40 = arith.addi %rem3A_30, %add3A : vector<2048x104xi32>
      %select_n3A_41 = arith.select %and3A, %add3A_40, %rem3A_30 : vector<2048x104xi1>, vector<2048x104xi32>
      %get3A_42 = arith.constant 0 : index
      %get3A_43 = arith.constant 0 : index
      %get3A_44 = vector.load %arg4[%get3A_42, %get3A_43] : memref<2048x104xi32, #tpu.memory_space<vmem>>, vector<2048x104xi32>
      %eq3A_45 = arith.cmpi eq, %get3A_44, %select_n3A_41 : vector<2048x104xi32>
      %convert_element_type3A_46 = arith.extui %eq3A_45 : vector<2048x104xi1> to vector<2048x104xi32>
      %convert_element_type3A_47 = arith.sitofp %convert_element_type3A_46 : vector<2048x104xi32> to vector<2048x104xf32>
      %swap3A_48 = arith.constant 0 : index
      %swap3A_49 = arith.constant 0 : index
      %swap3A_50 = vector.load %arg6[%swap3A_48, %swap3A_49] : memref<2048x104xf32, #tpu.memory_space<vmem>>, vector<2048x104xf32>
      tpu.vector_store %arg6[%swap3A_48, %swap3A_49], %convert_element_type3A_47 {strides = array<i32>} : memref<2048x104xf32, #tpu.memory_space<vmem>>, vector<2048x104xf32>,
    } else {
    }
    %get3A = arith.constant 0 : index
    %get3A_2 = arith.constant 0 : index
    %get3A_3 = vector.load %arg3[%get3A, %get3A_2] : memref<1x104xf32, #tpu.memory_space<vmem>>, vector<1x104xf32>
    %mul3A = arith.constant 2.000000e+00 : f32
    %mul3A_4 = vector.broadcast %mul3A : f32 to vector<1x104xf32>
    %mul3A_5 = arith.mulf %mul3A_4, %get3A_3 : vector<1x104xf32>
    %mul3A_6 = arith.mulf %mul3A_5, %get3A_3 : vector<1x104xf32>
    %div3A = arith.constant 1.000000e+00 : f32
    %div3A_7 = vector.broadcast %div3A : f32 to vector<1x104xf32>
    %div3A_8 = arith.divf %div3A_7, %mul3A_6 : vector<1x104xf32>
    %get3A_9 = arith.constant 0 : index
    %get3A_10 = arith.constant 0 : index
    %get3A_11 = vector.load %arg1[%get3A_9, %get3A_10] : memref<256x104xf32, #tpu.memory_space<vmem>>, vector<256x104xf32>
    %get3A_12 = arith.constant 0 : index
    %get3A_13 = arith.constant 0 : index
    %get3A_14 = vector.load %arg2[%get3A_12, %get3A_13] : memref<1x104xf32, #tpu.memory_space<vmem>>, vector<1x104xf32>
    %sub3A = vector.broadcast %get3A_14 : vector<1x104xf32> to vector<256x104xf32>
    %sub3A_15 = arith.subf %get3A_11, %sub3A : vector<256x104xf32>
    %mul3A_16 = arith.mulf %sub3A_15, %sub3A_15 : vector<256x104xf32>
    %mul3A_17 = vector.broadcast %div3A_8 : vector<1x104xf32> to vector<256x104xf32>
    %mul3A_18 = arith.mulf %mul3A_16, %mul3A_17 : vector<256x104xf32>
    %get3A_19 = arith.constant 0 : index
    %get3A_20 = arith.constant 0 : index
    %get3A_21 = vector.load %arg6[%get3A_19, %get3A_20] : memref<2048x104xf32, #tpu.memory_space<vmem>>, vector<2048x104xf32>
    %dot_general3A = arith.constant dense<0.000000e+00> : vector<256x2048xf32>
    %dot_general3A_22 = tpu.matmul %mul3A_18, %get3A_21, %dot_general3A {dimension_numbers = #tpu.dot_dimension_numbers<[1], [1], [0], [0], [0, 0, 1, 0], [], []>, precision = #tpu.contract_precision<fp32>, transpose_lhs_hint = false} : vector<256x104xf32>, vector<2048x104xf32>, vector<256x2048xf32> -> vector<256x2048xf32>
    %neg3A = arith.constant 0.000000e+00 : f32
    %neg3A_23 = vector.broadcast %neg3A : f32 to vector<256x2048xf32>
    %neg3A_24 = arith.subf %neg3A_23, %dot_general3A_22 : vector<256x2048xf32>
    %exp3A = math.exp %neg3A_24 : vector<256x2048xf32>
    %bitcast_convert_type3A = tpu.bitcast %exp3A : vector<256x2048xf32> -> vector<256x2048xi32>
    %swap3A = arith.constant 0 : index
    %swap3A_25 = arith.constant 0 : index
    %swap3A_26 = vector.load %arg5[%swap3A, %swap3A_25] : memref<256x2048xi32, #tpu.memory_space<vmem>>, vector<256x2048xi32>
    tpu.vector_store %arg5[%swap3A, %swap3A_25], %bitcast_convert_type3A {strides = array<i32>} : memref<256x2048xi32, #tpu.memory_space<vmem>>, vector<256x2048xi32>,
    return
  }
  func.func @transform_0(%arg0: i32) -> (i32, i32) {
    %c0_i32 = arith.constant 0 : i32
    %c0_i32_0 = arith.constant 0 : i32
    return %arg0, %c0_i32 : i32, i32
  }
  func.func @transform_1(%arg0: i32) -> (i32, i32) {
    %c0_i32 = arith.constant 0 : i32
    %c0_i32_0 = arith.constant 0 : i32
    %c0_i32_1 = arith.constant 0 : i32
    return %c0_i32, %c0_i32_0 : i32, i32
  }
  func.func @transform_2(%arg0: i32) -> (i32, i32) {
    %c0_i32 = arith.constant 0 : i32
    %c0_i32_0 = arith.constant 0 : i32
    %c0_i32_1 = arith.constant 0 : i32
    return %c0_i32, %c0_i32_0 : i32, i32
  }
  func.func @transform_3(%arg0: i32) -> (i32, i32) {
    %c0_i32 = arith.constant 0 : i32
    %c0_i32_0 = arith.constant 0 : i32
    %c0_i32_1 = arith.constant 0 : i32
    return %c0_i32, %c0_i32_0 : i32, i32
  }
  func.func @transform_4(%arg0: i32) -> (i32, i32) {
    %c0_i32 = arith.constant 0 : i32
    %c0_i32_0 = arith.constant 0 : i32
    return %arg0, %c0_i32 : i32, i32
  }
}

module attributes {stable_mosaic.version = 14 : i64} {
  func.func @_tc2_body(%arg0: i32, %arg1: memref<256x26xf32, #tpu.memory_space<vmem>>, %arg2: memref<256x2048xi32, #tpu.memory_space<vmem>>, %arg3: memref<256x1xi32, #tpu.memory_space<vmem>>, %arg4: memref<2048x432xf32, #tpu.memory_space<vmem>>, %arg5: memref<256x16xf32, #tpu.memory_space<vmem>>, %arg6: memref<256x2048xf32, #tpu.memory_space<vmem>>, %arg7: memref<256x2048xf32, #tpu.memory_space<vmem>>, %arg8: memref<2048x16xf32, #tpu.memory_space<vmem>>) attributes {dimension_semantics = [#tpu.dimension_semantics<arbitrary>], iteration_bounds = array<i64: 4>, scalar_prefetch = 0 : i64, scratch_operands = 1 : i64, tpu.core_type = #tpu.core_type<tc>, window_params = [{transform_indices = @transform_0, window_bounds = array<i64: 256, 26>}, {transform_indices = @transform_1, window_bounds = array<i64: 256, 2048>}, {transform_indices = @transform_2, window_bounds = array<i64: 256, 1>}, {pipeline_mode = #tpu.pipeline_mode<synchronous>, transform_indices = @transform_3, window_bounds = array<i64: 2048, 432>}, {transform_indices = @transform_4, window_bounds = array<i64: 256, 16>}, {transform_indices = @transform_5, window_bounds = array<i64: 256, 2048>}, {transform_indices = @transform_6, window_bounds = array<i64: 256, 2048>}]} {
    %eq3A = arith.constant 0 : i32
    %eq3A_0 = arith.cmpi eq, %arg0, %eq3A : i32
    %convert_element_type3A = arith.extui %eq3A_0 : i1 to i32
    %cond3A = arith.constant 0 : i32
    %cond3A_1 = arith.cmpi ne, %convert_element_type3A, %cond3A : i32
    scf.if %cond3A_1 {
      %iota3A = tpu.iota {dimensions = array<i32: 0>} : vector<432x16xi32>
      %jit3A = arith.constant 16 : i32
      %eq3A_37 = arith.constant 0 : i32
      %eq3A_38 = arith.cmpi eq, %jit3A, %eq3A_37 : i32
      %jit3A_39 = arith.constant 1 : i32
      %select_n3A = arith.select %eq3A_38, %jit3A_39, %jit3A : i32
      %rem3A = vector.broadcast %select_n3A : i32 to vector<432x16xi32>
      %rem3A_40 = arith.remsi %iota3A, %rem3A : vector<432x16xi32>
      %ne3A = arith.constant 0 : i32
      %ne3A_41 = vector.broadcast %ne3A : i32 to vector<432x16xi32>
      %ne3A_42 = arith.cmpi ne, %rem3A_40, %ne3A_41 : vector<432x16xi32>
      %lt3A = arith.constant 0 : i32
      %lt3A_43 = vector.broadcast %lt3A : i32 to vector<432x16xi32>
      %lt3A_44 = arith.cmpi slt, %rem3A_40, %lt3A_43 : vector<432x16xi32>
      %lt3A_45 = arith.constant 0 : i32
      %lt3A_46 = arith.cmpi slt, %select_n3A, %lt3A_45 : i32
      %ne3A_47 = vector.broadcast %lt3A_46 : i1 to vector<432x16xi1>
      %ne3A_48 = vector.broadcast %ne3A_47 : vector<432x16xi1> to vector<432x16xi1>
      %ne3A_49 = arith.xori %lt3A_44, %ne3A_48 : vector<432x16xi1>
      %and3A = arith.andi %ne3A_49, %ne3A_42 : vector<432x16xi1>
      %add3A_50 = vector.broadcast %select_n3A : i32 to vector<432x16xi32>
      %add3A_51 = arith.addi %rem3A_40, %add3A_50 : vector<432x16xi32>
      %select_n3A_52 = arith.select %and3A, %add3A_51, %rem3A_40 : vector<432x16xi1>, vector<432x16xi32>
      %iota3A_53 = tpu.iota {dimensions = array<i32: 1>} : vector<432x16xi32>
      %eq3A_54 = arith.cmpi eq, %select_n3A_52, %iota3A_53 : vector<432x16xi32>
      %convert_element_type3A_55 = arith.extui %eq3A_54 : vector<432x16xi1> to vector<432x16xi32>
      %convert_element_type3A_56 = arith.sitofp %convert_element_type3A_55 : vector<432x16xi32> to vector<432x16xf32>
      %get3A_57 = arith.constant 0 : index
      %get3A_58 = arith.constant 0 : index
      %get3A_59 = vector.load %arg4[%get3A_57, %get3A_58] : memref<2048x432xf32, #tpu.memory_space<vmem>>, vector<2048x432xf32>
      %dot_general3A_60 = arith.constant dense<0.000000e+00> : vector<2048x16xf32>
      %dot_general3A_61 = tpu.matmul %get3A_59, %convert_element_type3A_56, %dot_general3A_60 {dimension_numbers = #tpu.dot_dimension_numbers<[1], [0], [0], [1], [0, 0, 1, 1], [], []>, transpose_lhs_hint = false} : vector<2048x432xf32>, vector<432x16xf32>, vector<2048x16xf32> -> vector<2048x16xf32>
      %swap3A_62 = arith.constant 0 : index
      %swap3A_63 = arith.constant 0 : index
      %swap3A_64 = vector.load %arg8[%swap3A_62, %swap3A_63] : memref<2048x16xf32, #tpu.memory_space<vmem>>, vector<2048x16xf32>
      tpu.vector_store %arg8[%swap3A_62, %swap3A_63], %dot_general3A_61 {strides = array<i32>} : memref<2048x16xf32, #tpu.memory_space<vmem>>, vector<2048x16xf32>,
    } else {
    }
    %get3A = arith.constant 0 : index
    %get3A_2 = arith.constant 0 : index
    %get3A_3 = vector.load %arg2[%get3A, %get3A_2] : memref<256x2048xi32, #tpu.memory_space<vmem>>, vector<256x2048xi32>
    %bitcast_convert_type3A = tpu.bitcast %get3A_3 : vector<256x2048xi32> -> vector<256x2048xf32>
    %get3A_4 = arith.constant 0 : index
    %get3A_5 = arith.constant 0 : index
    %get3A_6 = vector.load %arg3[%get3A_4, %get3A_5] : memref<256x1xi32, #tpu.memory_space<vmem>>, vector<256x1xi32>
    %ge3A = vector.broadcast %get3A_6 : vector<256x1xi32> to vector<256x2048xi32>
    %ge3A_7 = arith.cmpi sge, %get3A_3, %ge3A : vector<256x2048xi32>
    %convert_element_type3A_8 = arith.extui %ge3A_7 : vector<256x2048xi1> to vector<256x2048xi32>
    %convert_element_type3A_9 = arith.sitofp %convert_element_type3A_8 : vector<256x2048xi32> to vector<256x2048xf32>
    %mul3A = arith.mulf %bitcast_convert_type3A, %convert_element_type3A_9 : vector<256x2048xf32>
    %reduce_sum3A = arith.constant dense<0.000000e+00> : vector<256xf32>
    %reduce_sum3A_10 = vector.multi_reduction <add>, %mul3A, %reduce_sum3A [1] : vector<256x2048xf32> to vector<256xf32>
    %broadcast_in_dim3A = vector.shape_cast %reduce_sum3A_10 : vector<256xf32> to vector<256x1xf32>
    %add3A = arith.constant 9.99999971E-10 : f32
    %add3A_11 = vector.broadcast %add3A : f32 to vector<256x1xf32>
    %add3A_12 = arith.addf %broadcast_in_dim3A, %add3A_11 : vector<256x1xf32>
    %div3A = vector.broadcast %add3A_12 : vector<256x1xf32> to vector<256x2048xf32>
    %div3A_13 = arith.divf %mul3A, %div3A : vector<256x2048xf32>
    %get3A_14 = arith.constant 0 : index
    %get3A_15 = arith.constant 0 : index
    %get3A_16 = vector.load %arg1[%get3A_14, %get3A_15] : memref<256x26xf32, #tpu.memory_space<vmem>>, vector<256x26xf32>
    %reduce_sum3A_17 = arith.constant dense<0.000000e+00> : vector<256xf32>
    %reduce_sum3A_18 = vector.multi_reduction <add>, %get3A_16, %reduce_sum3A_17 [1] : vector<256x26xf32> to vector<256xf32>
    %broadcast_in_dim3A_19 = vector.shape_cast %reduce_sum3A_18 : vector<256xf32> to vector<256x1xf32>
    %add3A_20 = arith.constant 1.000000e+00 : f32
    %add3A_21 = vector.broadcast %add3A_20 : f32 to vector<256x1xf32>
    %add3A_22 = arith.addf %broadcast_in_dim3A_19, %add3A_21 : vector<256x1xf32>
    %get3A_23 = arith.constant 0 : index
    %get3A_24 = arith.constant 0 : index
    %get3A_25 = vector.load %arg8[%get3A_23, %get3A_24] : memref<2048x16xf32, #tpu.memory_space<vmem>>, vector<2048x16xf32>
    %dot_general3A = arith.constant dense<0.000000e+00> : vector<256x16xf32>
    %dot_general3A_26 = tpu.matmul %div3A_13, %get3A_25, %dot_general3A {dimension_numbers = #tpu.dot_dimension_numbers<[1], [0], [0], [1], [0, 0, 1, 1], [], []>, transpose_lhs_hint = false} : vector<256x2048xf32>, vector<2048x16xf32>, vector<256x16xf32> -> vector<256x16xf32>
    %mul3A_27 = vector.broadcast %add3A_22 : vector<256x1xf32> to vector<256x16xf32>
    %mul3A_28 = arith.mulf %mul3A_27, %dot_general3A_26 : vector<256x16xf32>
    %swap3A = arith.constant 0 : index
    %swap3A_29 = arith.constant 0 : index
    %swap3A_30 = vector.load %arg5[%swap3A, %swap3A_29] : memref<256x16xf32, #tpu.memory_space<vmem>>, vector<256x16xf32>
    tpu.vector_store %arg5[%swap3A, %swap3A_29], %mul3A_28 {strides = array<i32>} : memref<256x16xf32, #tpu.memory_space<vmem>>, vector<256x16xf32>,
    %swap3A_31 = arith.constant 0 : index
    %swap3A_32 = arith.constant 0 : index
    %swap3A_33 = vector.load %arg6[%swap3A_31, %swap3A_32] : memref<256x2048xf32, #tpu.memory_space<vmem>>, vector<256x2048xf32>
    tpu.vector_store %arg6[%swap3A_31, %swap3A_32], %div3A_13 {strides = array<i32>} : memref<256x2048xf32, #tpu.memory_space<vmem>>, vector<256x2048xf32>,
    %swap3A_34 = arith.constant 0 : index
    %swap3A_35 = arith.constant 0 : index
    %swap3A_36 = vector.load %arg7[%swap3A_34, %swap3A_35] : memref<256x2048xf32, #tpu.memory_space<vmem>>, vector<256x2048xf32>
    tpu.vector_store %arg7[%swap3A_34, %swap3A_35], %convert_element_type3A_9 {strides = array<i32>} : memref<256x2048xf32, #tpu.memory_space<vmem>>, vector<256x2048xf32>,
    return
  }
  func.func @transform_0(%arg0: i32) -> (i32, i32) {
    %c0_i32 = arith.constant 0 : i32
    %c0_i32_0 = arith.constant 0 : i32
    return %arg0, %c0_i32 : i32, i32
  }
  func.func @transform_1(%arg0: i32) -> (i32, i32) {
    %c0_i32 = arith.constant 0 : i32
    %c0_i32_0 = arith.constant 0 : i32
    return %arg0, %c0_i32 : i32, i32
  }
  func.func @transform_2(%arg0: i32) -> (i32, i32) {
    %c0_i32 = arith.constant 0 : i32
    %c0_i32_0 = arith.constant 0 : i32
    return %arg0, %c0_i32 : i32, i32
  }
  func.func @transform_3(%arg0: i32) -> (i32, i32) {
    %c0_i32 = arith.constant 0 : i32
    %c0_i32_0 = arith.constant 0 : i32
    %c0_i32_1 = arith.constant 0 : i32
    return %c0_i32, %c0_i32_0 : i32, i32
  }
  func.func @transform_4(%arg0: i32) -> (i32, i32) {
    %c0_i32 = arith.constant 0 : i32
    %c0_i32_0 = arith.constant 0 : i32
    return %arg0, %c0_i32 : i32, i32
  }
  func.func @transform_5(%arg0: i32) -> (i32, i32) {
    %c0_i32 = arith.constant 0 : i32
    %c0_i32_0 = arith.constant 0 : i32
    return %arg0, %c0_i32 : i32, i32
  }
  func.func @transform_6(%arg0: i32) -> (i32, i32) {
    %c0_i32 = arith.constant 0 : i32
    %c0_i32_0 = arith.constant 0 : i32
    return %arg0, %c0_i32 : i32, i32
  }
}

</mosaic_0001>

<sc_bundles>
// kernel: kernel.5.cloned.1.call-start
scs
__scs_entry_jumppad:
0x0: {  	(pc) =	sbr.rel $0x88, $3  }
0x1: {  	(tag) =	ssettag $0x0;
	lr =	simm.s32 $0x1  }
0x2: {  	[smem:$0x3F9C] =	sst lr;
	_ =	strace $0xD0000000  }
0x3: {  	_ = 	snop  }
0x4: {  	_ = 	snop  }
0x5: {  	_ = 	snop  }
0x6: {  	_ = 	snop  }
0x7: {  	_ = 	snop  }
__scs_overlays_trampoline_lowered:
0x8: {  	[smem:$0x3FAB] =	sst s0  }
0x9: {  	[smem:$0x3FAC] =	sst s1  }
0xa: {  	[smem:$0x3FAD] =	sst s2  }
0xb: {  	[smem:$0x3FAE] =	sst s3  }
0xc: {  	[smem:$0x3FAF] =	sst s4  }
0xd: {  	[smem:$0x3FB0] =	sst s5  }
0xe: {  	[smem:$0x3FB1] =	sst s6  }
0xf: {  	[smem:$0x3FB2] =	sst s7  }
0x10: {  	[smem:$0x3FB3] =	sst s8  }
0x11: {  	[smem:$0x3FB4] =	sst s9;
	s0 =	simm.s32 @!p0 $0x0  }
0x12: {  	s1 =	sld [smem:$0x3F9A];
	s0 =	simm.s32 @p0 $0x1  }
0x13: {  	[smem:$0x3FB5] =	sst s0;
	s0 =	simm.s32 @!p1 $0x0  }
0x14: {  	s2 =	sld [smem:$0x3F99];
	s0 =	simm.s32 @p1 $0x1  }
0x15: {  	[smem:$0x3FB6] =	sst s0;
	s0 =	simm.s32 @!p2 $0x0  }
0x16: {  	s3 =	sld [smem:$0x3FDB];
	s0 =	simm.s32 @p2 $0x1  }
0x17: {  	s4 =	simm.s32 $0x1BF5;
	[smem:$0x3FB8] =	sst s0  }
0x18: {  	s0 =	sld [smem:$0x3F9B];
	_ =	swait.ge [sflag:s4], $0x0  }
0x19: {  	s7 =	sld [smem:$0x3F9C]  }
0x1a: {  	s8 =	sadd.s32 $0xFFFFE003, lr  }
0x1b: {  	s9 =	sadd.s32 $0xFFFFFEF7, lr;
	s5 =	simm.s32 $0xFFFFFFFF;
	p2 =	slt.u32 s8, $0xFFFFF086  }
0x1c: {  	p1 =	slt.u32 s9, $0xF7A;
	s5 =	simm.s32 @!p2 $0x0  }
0x1d: {  	s5 =	simm.s32 @p1 $0x1;
	p0 =	seq.s32 s7, s2  }
0x1e: {  	s7 =	smul.u32 @!p0 $0xF7A, s2;
	p2 =	seq.s32 @!p0 s5, $0x0  }
0x1f: {  	s9 =	smul.u32 $0xF7A, s1;
	s8 =	simm.s32 @!p0 $0x1BF5;
	p2 =	por !p2, p0  }
0x20: {  	[sflag:s8] =	ssyncset.s32 @!p0 $0xFFFFF086;
	s6 =	sadd.s32 @!p0 s3, s7;
	s7 =	simm.s32 @!p0 $0x108  }
0x21: {  	s3 =	sadd.s32 s3, s9;
	s6 =	sadd.s32 @!p0 $0x88, s6;
	s7 =	simm.s32 @p2 $0x1082  }
0x22: {  	[simem:s7], [sflag:s8] =	dma.local @!p0 [hbm:s6], $0xF7A  }
0x23: {  	s9 =	sor.u32 $0xD0000000, s2;
	s6 =	simm.s32 $0x108;
	_ =	swait.ge @!p0 [sflag:s8], $0x0  }
0x24: {  	s3 =	sadd.s32 $0x88, s3;
	s6 =	simm.s32 @!p1 $0x1082;
	[sflag:s4] =	ssyncset.s32 $0xFFFFF086  }
0x25: {  	[simem:s6], [sflag:s4] =	dma.local [hbm:s3], $0xF7A  }
0x26: {  	[smem:$0x3F9C] =	sst s1;
	(tag) =	ssettag s2;
	_ =	strace s9  }
0x27: {  	s1 =	sld [smem:$0x3FAC]  }
0x28: {  	s2 =	sld [smem:$0x3FAD]  }
0x29: {  	s4 =	sld [smem:$0x3FAF]  }
0x2a: {  	p0 =	seq.s32 s5, $0x0;
	s5 =	sld [smem:$0x3FB0]  }
0x2b: {  	s6 =	sld [smem:$0x3FB1]  }
0x2c: {  	s7 =	sld [smem:$0x3FB2]  }
0x2d: {  	s3 =	simm.s32 $0x108;
	s8 =	sld [smem:$0x3FB3]  }
0x2e: {  	s3 =	simm.s32 @!p0 $0x1082;
	s9 =	sld [smem:$0x3FB4]  }
0x2f: {  	lr =	sadd.s32 s0, s3;
	s0 =	sld [smem:$0x3FAB]  }
0x30: {  	s3 =	sld [smem:$0x3FAE]  }
0x31: {  	[smem:$0x3FB7] =	sst s10  }
0x32: {  	s10 =	sld [smem:$0x3FB5];
	_ =	sdelay $0x3  }
0x33: {  	p0 =	seq.s32 s10, $0x1;
	s10 =	sld [smem:$0x3FB7];
	_ =	sdelay $0x3  }
0x34: {  	[smem:$0x3FB7] =	sst s10  }
0x35: {  	s10 =	sld [smem:$0x3FB6];
	_ =	sdelay $0x3  }
0x36: {  	p1 =	seq.s32 s10, $0x1;
	s10 =	sld [smem:$0x3FB7];
	_ =	sdelay $0x3  }
0x37: {  	[smem:$0x3FB7] =	sst s10  }
0x38: {  	s10 =	sld [smem:$0x3FB8]  }
0x39: {  	_ = 	snop;
	(pc) =	sbr.ind lr, $3  }
0x3a: {  	_ = 	snop  }
0x3b: {  	_ = 	snop  }
0x3c: {  	p2 =	seq.s32 s10, $0x1;
	s10 =	sld [smem:$0x3FB7]  }
0x3d: {  	_ =	shalt  }
0x3e: {  	_ =	shalt  }
0x3f: {  	_ =	shalt  }
0x40: {  	_ =	shalt  }
0x41: {  	_ =	shalt  }
0x42: {  	_ =	shalt  }
0x43: {  	_ =	shalt  }
0x44: {  	_ =	shalt  }
0x45: {  	_ =	shalt  }
0x46: {  	_ =	shalt  }
0x47: {  	_ =	shalt  }
0x48: {  	_ =	shalt  }
0x49: {  	_ =	shalt  }
0x4a: {  	_ =	shalt  }
0x4b: {  	_ =	shalt  }
0x4c: {  	_ =	shalt  }
0x4d: {  	_ =	shalt  }
0x4e: {  	_ =	shalt  }
0x4f: {  	_ =	shalt  }
0x50: {  	_ =	shalt  }
0x51: {  	_ =	shalt  }
0x52: {  	_ =	shalt  }
0x53: {  	_ =	shalt  }
0x54: {  	_ =	shalt  }
0x55: {  	_ =	shalt  }
0x56: {  	_ =	shalt  }
0x57: {  	_ =	shalt  }
0x58: {  	_ =	shalt  }
0x59: {  	_ =	shalt  }
0x5a: {  	_ =	shalt  }
0x5b: {  	_ =	shalt  }
0x5c: {  	_ =	shalt  }
0x5d: {  	_ =	shalt  }
0x5e: {  	_ =	shalt  }
0x5f: {  	_ =	shalt  }
0x60: {  	_ =	shalt  }
0x61: {  	_ =	shalt  }
0x62: {  	_ =	shalt  }
0x63: {  	_ =	shalt  }
0x64: {  	_ =	shalt  }
0x65: {  	_ =	shalt  }
0x66: {  	_ =	shalt  }
0x67: {  	_ =	shalt  }
0x68: {  	_ =	shalt  }
0x69: {  	_ =	shalt  }
0x6a: {  	_ =	shalt  }
0x6b: {  	_ =	shalt  }
0x6c: {  	_ =	shalt  }
0x6d: {  	_ =	shalt  }
0x6e: {  	_ =	shalt  }
0x6f: {  	_ =	shalt  }
0x70: {  	_ =	shalt  }
0x71: {  	_ =	shalt  }
0x72: {  	_ =	shalt  }
0x73: {  	_ =	shalt  }
0x74: {  	_ =	shalt  }
0x75: {  	_ =	shalt  }
0x76: {  	_ =	shalt  }
0x77: {  	_ =	shalt  }
0x78: {  	_ =	shalt  }
0x79: {  	_ =	shalt  }
0x7a: {  	_ =	shalt  }
0x7b: {  	_ =	shalt  }
0x7c: {  	_ =	shalt  }
0x7d: {  	_ =	shalt  }
0x7e: {  	_ =	shalt  }
0x7f: {  	_ =	shalt  }
0x80: {  	_ =	shalt  }
0x81: {  	_ =	shalt  }
0x82: {  	_ =	shalt  }
0x83: {  	_ =	shalt  }
0x84: {  	_ =	shalt  }
0x85: {  	_ =	shalt  }
0x86: {  	_ =	shalt  }
0x87: {  	_ =	shalt  }
.Lfunc_end0:
.L_simem_size_0:
called_computation_lowered:
.L_overlay_start_0:
0x88: {  	s2 =	sld [smem:$0x3FD9]  }
0x89: {  	s3 =	sld [smem:$0x3FFE];
	_ =	sdelay $0x1  }
0x8a: {  	s1 =	srdreg.scid  }
0x8b: {  	s0 =	sand.u32 $0x1, s1  }
0x8c: {  	s15 =	sshll.u32 s0, $0xA;
	s2 =	sadd.s32 s3, s2  }
0x8d: {  	s2 =	sadd.s32 s2, s15  }
0x8e: {  	[smem:$0x3FC3] =	sst s2  }
0x8f: {  	_ = 	snop  }
0x90: {  	s2 =	sld [smem:$0x3FD0];
	_ =	sdelay $0x2  }
0x91: {  	s16 =	simm.s32 $0xA;
	s4 =	simm.s32 $0x10  }
0x92: {  	[smem:s4], [sflag:s16] =	dma.local [hbm:s2], $0x1  }
0x93: {  	_ =	swait.eq [sflag:s16], $0x1  }
0x94: {  	[sflag:s16] =	ssyncset.done $0x0  }
0x95: {  	s17 =	sld [smem:$0x10];
	[sflag:s16] =	ssyncadd.s32 $0xFFFFFFFF  }
0x96: {  	s18 =	sld [smem:$0x12];
	(tm) =	ssettm $0x1  }
0x97: {  	s19 =	sld [smem:$0x3FFB];
	_ =	sdelay $0x3  }
0x98: {  	_ =	strace s19  }
0x99: {  	s4 =	sld [smem:$0x3FFC];
	_ =	sdelay $0x3  }
0x9a: {  	_ =	strace s4  }
0x9b: {  	s4 =	sld [smem:$0x3FFD];
	_ =	sdelay $0x3  }
0x9c: {  	_ =	strace s4  }
0x9d: {  	_ =	strace $0x8FFFFFFF  }
0x9e: {  	s20 =	sld [smem:$0x3FDB];
	_ =	sdelay $0x1  }
0x9f: {  	s5 =	simm.s32 $_scs_section_size  }
0xa0: {  	s6 =	simm.s32 $_size__tile_overlayer_lowered;
	s7 =	simm.s32 $_tile_overlayer_lowered  }
0xa1: {  	s23 =	simm.s32 $0x1BFF;
	s22 =	sshll.u32 s7, $0x1;
	s4 =	sadd.s32 s5, s20  }
0xa2: {  	s8 =	simm.s32 $0x0;
	s21 =	sshll.u32 s6, $0x1;
	s6 =	sadd.s32 s22, s4  }
0xa3: {  	[timem:s8], [sflag:s23] =	dma.local [hbm:s6], s21  }
0xa4: {  	_ =	swait.ge [sflag:s23], s21  }
0xa5: {  	s5 =	ssub.s32 $0x0, s21;
	[sflag:s23] =	ssyncset.done $0x0  }
0xa6: {  	[sflag:s23] =	ssyncadd.s32 s5;
	_ =	sdelay $0x1  }
0xa7: {  	s24 =	simm.s32 $0x1B8B  }
0xa8: {  	_ =	swait.ge [sflag:s24], $0x1  }
0xa9: {  	[sflag:s24] =	ssyncset.done $0x0  }
0xaa: {  	s25 =	simm.s32 $0x1B8E;
	[sflag:s24] =	ssyncadd.s32 $0xFFFFFFFF  }
0xab: {  	s26 =	simm.s32 $execute0_lowered;
	[smem:$0x3FD2] =	sst s25  }
0xac: {  	s5 =	sshll.u32 s26, $0x1;
	_ =	strace $0x80000046;
	[dreg:$0x1] =	wrdreg $0xFFFFFFFF  }
0xad: {  	s28 =	simm.s32 $_size_execute0_lowered;
	s4 =	sadd.s32 s4, s5;
	[dreg:$0x0] =	wrdreg $0x0  }
0xae: {  	s5 =	sshll.u32 s28, $0x1;
	[dreg:$0x2] =	wrdreg s4  }
0xaf: {  	[dreg:$0x3] =	wrdreg s5  }
0xb0: {  	[dreg:$0x4] =	wrdreg $0xC0  }
0xb1: {  	_ =	task [dreg:s8], $0x5FFFF  }
0xb2: {  	[dreg:$0x1] =	wrdreg $0xFFFFFFFF  }
0xb3: {  	[dreg:$0x0] =	wrdreg $0x60  }
0xb4: {  	[dreg:$0x2] =	wrdreg s18  }
0xb5: {  	[dreg:$0x3] =	wrdreg s17  }
0xb6: {  	[dreg:$0x4] =	wrdreg $0x9  }
0xb7: {  	_ =	task.clear_ibuf [dreg:s8], $0x5FFFF;
	_ =	strace $0x90000046  }
0xb8: {  	s29 =	simm.s32 $0x9;
	_ =	strace $0x80000048  }
0xb9: {  	_ =	swait.ge [sflag:s29], $0x1  }
0xba: {  	[sflag:s29] =	ssyncadd.s32 $0xFFFFFFFF  }
0xbb: {  	_ =	strace $0x90000048  }
0xbc: {  	_ =	sfence  }
0xbd: {  	s30 =	sld [smem:$0x0];
	_ =	sdelay $0x2  }
0xbe: {  	s31 =	sshll.u32 s1, $0xD;
	s1 =	sshrl.u32 s1, $0x2  }
0xbf: {  	s3 =	sand.u32 $0x4000, s31;
	s1 =	sadd.s32 s1, s30  }
0xc0: {  	s0 =	sor.u32 s3, s0;
	s1 =	sshll.u32 s1, $0x11  }
0xc1: {  	s0 =	sor.u32 s1, s0  }
0xc2: {  	s0 =	sadd.s32 $0x8F2B, s0  }
0xc3: {  	[sflag:s0] =	ssyncadd.remote.s32 $0x1  }
0xc4: {  	_ =	sfence.sel $0xFFFF  }
0xc5: {  	[dreg:$0x0] =	wrdreg $0xFFFFFFFF;
	(pc) =	sbr.abs _section_cstart, $3  }
0xc6: {  	[dreg:$0x1] =	wrdreg $0xFFFFFFFF  }
0xc7: {  	_ =	task.clear_ibuf [dreg:s8], $0x2FFFF;
	_ =	strace $0x9FFFFFFF  }
0xc8: {  	(tm) =	ssettm $0x7FFFFFFF  }
0xc9: {  	_ =	shalt  }
tec
execute0_lowered:
.L_overlay_start_1:
0x0: {  	(tag) =	ssettag $0x1  }
0x1: {  	s3 =	rddreg [dreg:$0x0]  }
0x2: {  	s4 =	rddreg [dreg:$0x1]  }
0x3: {  	s0 =	rddreg [dreg:$0x2];
	s2 =	simm.s32 $0x0;
	vm0 =	vmmov $0x1ff;
	v4 =	vimm.s32 $0x0  }
0x4: {  	s5 =	srdreg.scid;
	[smem:$0x7FF] =	sst s2;
	v4 =	vsel vm0, $0xFFFFFFFF, v4  }
0x5: {  	s1 =	stileid.u32;
	vm13 =	vmmov $0x3ff;
	s9 =	simm.s32 $0x400000;
	_ =	strace $0x80000047;
	[tilespmem:$0x1FFC0] =	vst v4;
	v4 =	vimm.s32 $0x0  }
0x6: {  	v0 =	vlaneseq.u32;
	s10 =	simm.s32 $0x11100;
	s5 =	sand.u32 $0x1, s5;
	s7 =	sshll.u32 s1, $0x6;
	v4 =	vsel vm13, $0xFFFFFFFF, v4  }
.Ltmp0:
0x7: {  	v1 =	vimm.s32 $0x0;
	vm14 =	vmmov $0x7ff;
	s6 =	ssub.s32 $0x2, s5;
	s5 =	sshll.u32 s5, $0x5;
	[tilespmem:$0x1FFD0] =	vst v4;
	v4 =	vimm.s32 $0x0;
	(pc) =	sbr.rel .LBB2_1-.Ltmp0, $4  }
0x8: {  	v3 =	vimm.s32 $0x1;
	vm15 =	vmmov $0xfff;
	s11 =	simm.s32 $0x0;
	s8 =	sshrl.u32 s6, $0x1;
	s5 =	sor.u32 s5, s7;
	v4 =	vsel vm14, $0xFFFFFFFF, v4  }
0x9: {  	v5 =	vimm.s32 $0x0;
	vm5 =	vmmov $0x1fff;
	s6 =	ssub.s32 s6, s8;
	s7 =	sshll.u32 s5, $0x8;
	s5 =	sshrl.u32 s5, $0x3;
	[tilespmem:$0x1FFE0] =	vst v4;
	v4 =	vmul.u32 $0xFFFFFFFF, v0  }
0xa: {  	vm6 =	vmmov $0x3fff;
	vm7 =	vmmov $0x7fff;
	v5 =	vsel vm15, $0xFFFFFFFF, v5;
	s8 =	simm.s32 $0x10880;
	s3 =	sadd.s32 s3, s7;
	s4 =	sadd.s32 s4, s5  }
0xb: {  	vm8 =	vmmov $0x1;
	v2 =	vmul.u32 $0x80, v0;
	[tilespmem:$0x1FFF0] =	vst v5;
	s5 =	smax.u32 s6, $0x1;
	s6 =	simm.s32 $0x1;
	s7 =	simm.s32 $0x10000;
	v4 =	vadd.s32 $0xF, v4  }
.LBB2_16:
0xc: {  	s11 =	sadd.s32 $0x1, s11  }
0xd: {  	p0 =	sne.s32 s11, s5  }
.Ltmp1:
0xe: {  	_ = 	snop;
	(pc) =	sbr.rel @!p0 .LBB2_17-.Ltmp1, $4  }
0xf: {  	[hbm4b:s4+s2] =	stream.linear.scatter [tilespmem:s10], [sflag:$0x1], $0x20, $0x38;
	[tilespmem:$0x11180] =	vst v63  }
0x10: {  	_ =	swait.ge [sflag:s6], $0x20  }
0x11: {  	[sflag:s6] =	ssyncset.done $0x0  }
0x12: {  	[sflag:s6] =	ssyncadd.s32 $0xFFFFFFE0  }
.LBB2_1:
0x13: {  	[tilespmem:s2], [sflag:$0x1] =	stream.linear.gather [hbm4b:s3+s2], $0x10000, $0x38;
	[tilespmem:$0x11180] =	vst v63  }
0x14: {  	_ =	swait.ge [sflag:s6], $0x10000  }
0x15: {  	[sflag:s6] =	ssyncset.done $0x0  }
0x16: {  	s12 =	simm.s32 $0x10040;
	[sflag:s6] =	ssyncadd.s32 $0xFFFF0000  }
0x17: {  	[tilespmem:s12+$0xFFFFFFC0] =	vst v1  }
0x18: {  	[tilespmem:s12+$0x30] =	vst v1  }
0x19: {  	[tilespmem:s12+$0x20] =	vst v1  }
0x1a: {  	[tilespmem:s12+$0x10] =	vst v1  }
0x1b: {  	[tilespmem:s12+$0x0] =	vst v1  }
0x1c: {  	[tilespmem:s12+$0xFFFFFFF0] =	vst v1  }
0x1d: {  	s13 =	simm.s32 $0x0;
	[tilespmem:s12+$0xFFFFFFE0] =	vst v1  }
.LBB2_2:
0x1e: {  	s13 =	sadd.s32 $0x8, s13;
	[tilespmem:s12+$0xFFFFFFD0] =	vst v1;
	s12 =	sadd.s32 $0x80, s12  }
0x1f: {  	[tilespmem:s12+$0xFFFFFFC0] =	vst v1;
	p0 =	slt.u32 s13, $0x78  }
0x20: {  	[tilespmem:s12+$0x30] =	vst v1  }
.Ltmp2:
0x21: {  	[tilespmem:s12+$0x20] =	vst v1;
	(pc) =	sbr.rel @p0 .LBB2_2-.Ltmp2, $4  }
0x22: {  	[tilespmem:s12+$0x10] =	vst v1  }
0x23: {  	[tilespmem:s12+$0x0] =	vst v1  }
0x24: {  	[tilespmem:s12+$0xFFFFFFF0] =	vst v1  }
0x25: {  	[tilespmem:s12+$0xFFFFFFE0] =	vst v1  }
.Ltmp3:
0x26: {  	(pc) =	sbr.rel .LBB2_4-.Ltmp3, $2  }
0x27: {  	_ =	sdelay $0x2  }
0x28: {  	[tilespmem:s12+$0xFFFFFFD0] =	vst v1;
	s12 =	simm.s32 $0x0;
	s13 =	simm.s32 $0x0;
	s14 =	simm.s32 $0x0  }
.LBB2_15:
0x29: {  	v5 =	vmov s14;
	s14 =	sadd.s32 $0x1, s14  }
0x2a: {  	p0 =	sne.s32 s14, $0x20  }
.Ltmp4:
0x2b: {  	_ = 	snop;
	(pc) =	sbr.rel @!p0 .LBB2_16-.Ltmp4, $4  }
0x2c: {  	_ = 	snop  }
0x2d: {  	s15 =	sor.u32 s15, s20  }
0x2e: {  	v6 =	vmov s15  }
0x2f: {  	s13 =	sadd.s32 $0x800, s13;
	s12 =	sadd.s32 $0x1, s12;
	[tilespmem:v5+s10+$0x0] =	vst.idx.msk $0x1, v6  }
.LBB2_4:
0x30: {  	s15 =	sshll.u32 s13, $0x2;
	s16 =	sand.u32 $0x7, s12  }
0x31: {  	s15 =	sand.u32 $0xFFFF0000, s15;
	s16 =	sshll.u32 s16, $0x9  }
0x32: {  	s15 =	sor.u32 s16, s15  }
0x33: {  	s15 =	sshrl.u32 s15, $0x2  }
0x34: {  	s18 =	sor.u32 $0x40, s15  }
0x35: {  	v5 =	vld [tilespmem:s18+$0x30]  }
0x36: {  	v6 =	vld [tilespmem:s18+$0xFFFFFFD0]  }
0x37: {  	v7 =	vld [tilespmem:s18+$0xFFFFFFE0]  }
0x38: {  	v8 =	vld [tilespmem:s18+$0xFFFFFFF0]  }
0x39: {  	v12 =	vld [tilespmem:s18+$0xFFFFFFC0];
	_ =	sdelay $0x2  }
0x3a: {  	v9 =	vld [tilespmem:s18+$0x0]  }
0x3b: {  	v10 =	vld [tilespmem:s18+$0x10];
	v5 =	vshrl.u32 v5, $0x17;
	v16 =	vshrl.u32 v6, $0x17;
	v18 =	vshrl.u32 v7, $0x17  }
0x3c: {  	v11 =	vld [tilespmem:s18+$0x20];
	v19 =	vshrl.u32 v8, $0x17;
	v20 =	vshrl.u32 v12, $0x17;
	v6 =	vadd.s32 v2, v5  }
0x3d: {  	v5 =	vand.u32 $0x7F, v5;
	v7 =	vadd.s32 v2, v16;
	v8 =	vadd.s32 v2, v18  }
0x3e: {  	v13 =	vadd.s32 v2, v19;
	v21 =	vadd.s32 v2, v20;
	v6 =	vand.u32 $0xF80, v6  }
0x3f: {  	v18 =	vand.u32 $0x7F, v18;
	v8 =	vand.u32 $0xF80, v8;
	v17 =	vor.u32 v5, v6  }
0x40: {  	v6 =	vshrl.u32 v9, $0x17;
	v5 =	vand.u32 $0xF80, v7;
	v7 =	vshrl.u32 v10, $0x17  }
0x41: {  	v9 =	vshrl.u32 v11, $0x17;
	v10 =	vand.u32 $0xF80, v13;
	v14 =	vadd.s32 v2, v6  }
0x42: {  	v15 =	vadd.s32 v2, v7;
	v13 =	vadd.s32 v2, v9;
	v12 =	vand.u32 $0xF80, v14  }
0x43: {  	s30 =	sshll.u32 s14, $0xB;
	s31 =	sshll.u32 s14, $0x7;
	s17 =	simm.s32 $0x0;
	v11 =	vand.u32 $0xF80, v15;
	v14 =	vand.u32 $0xF80, v21;
	v15 =	vand.u32 $0x7F, v20  }
0x44: {  	s16 =	sand.u32 $0x380, s31;
	s15 =	sand.u32 $0xC000, s30;
	s18 =	sadd.s32 $0x400, s18;
	v13 =	vand.u32 $0xF80, v13;
	[tilespmem:v17+s7+$0x0] =	vst.idx.add.s32.msk $0xffff, v3;
	v17 =	vand.u32 $0x7F, v16;
	v16 =	vand.u32 $0x7F, v19  }
.LBB2_5:
0x45: {  	v19 =	vld [tilespmem:s18+$0x30];
	s17 =	sadd.s32 $0x8, s17;
	v6 =	vand.u32 $0x7F, v6;
	v7 =	vand.u32 $0x7F, v7;
	v9 =	vand.u32 $0x7F, v9  }
0x46: {  	v14 =	vor.u32 v15, v14;
	v5 =	vor.u32 v17, v5;
	v8 =	vor.u32 v18, v8;
	v20 =	vld [tilespmem:s18+$0xFFFFFFD0];
	p0 =	slt.u32 s17, $0x78  }
0x47: {  	v10 =	vor.u32 v16, v10;
	v12 =	vor.u32 v6, v12;
	v16 =	vor.u32 v7, v11;
	v15 =	vld [tilespmem:s18+$0xFFFFFFE0]  }
0x48: {  	v21 =	vor.u32 v9, v13;
	v6 =	vld [tilespmem:s18+$0xFFFFFFF0]  }
0x49: {  	v7 =	vld [tilespmem:s18+$0x0]  }
0x4a: {  	v9 =	vld [tilespmem:s18+$0x10];
	v11 =	vshrl.u32 v19, $0x17  }
0x4b: {  	v17 =	vshrl.u32 v20, $0x17;
	v13 =	vld [tilespmem:s18+$0x20];
	v18 =	vadd.s32 v2, v11  }
0x4c: {  	v11 =	vand.u32 $0x7F, v11;
	v19 =	vld [tilespmem:s18+$0xFFFFFFC0];
	v20 =	vshrl.u32 v15, $0x17;
	v15 =	vand.u32 $0xF80, v18  }
0x4d: {  	v18 =	vadd.s32 v2, v17;
	v22 =	vshrl.u32 v6, $0x17;
	v15 =	vor.u32 v11, v15;
	[tilespmem:v14+s7+$0x0] =	vst.idx.add.s32.msk $0xffff, v3  }
0x4e: {  	v11 =	vadd.s32 v2, v20;
	v14 =	vadd.s32 v2, v22;
	v6 =	vshrl.u32 v7, $0x17;
	[tilespmem:v5+s7+$0x0] =	vst.idx.add.s32.msk $0xffff, v3  }
0x4f: {  	v5 =	vand.u32 $0xF80, v18;
	v18 =	vadd.s32 v2, v6;
	v7 =	vshrl.u32 v9, $0x17;
	[tilespmem:v8+s7+$0x0] =	vst.idx.add.s32.msk $0xffff, v3  }
.Ltmp5:
0x50: {  	v8 =	vand.u32 $0xF80, v11;
	v11 =	vadd.s32 v2, v7;
	v9 =	vshrl.u32 v13, $0x17;
	[tilespmem:v10+s7+$0x0] =	vst.idx.add.s32.msk $0xffff, v3;
	(pc) =	sbr.rel @p0 .LBB2_5-.Ltmp5, $4  }
0x51: {  	v10 =	vand.u32 $0xF80, v14;
	v13 =	vshrl.u32 v19, $0x17;
	v19 =	vadd.s32 v2, v9;
	[tilespmem:v12+s7+$0x0] =	vst.idx.add.s32.msk $0xffff, v3  }
0x52: {  	v12 =	vand.u32 $0xF80, v18;
	v11 =	vand.u32 $0xF80, v11;
	v14 =	vadd.s32 v2, v13;
	[tilespmem:v15+s7+$0x0] =	vst.idx.add.s32.msk $0xffff, v3  }
0x53: {  	v15 =	vand.u32 $0x7F, v13;
	v13 =	vand.u32 $0xF80, v19;
	v14 =	vand.u32 $0xF80, v14;
	[tilespmem:v16+s7+$0x0] =	vst.idx.add.s32.msk $0xffff, v3  }
0x54: {  	v17 =	vand.u32 $0x7F, v17;
	s18 =	sadd.s32 $0x400, s18;
	v18 =	vand.u32 $0x7F, v20;
	v16 =	vand.u32 $0x7F, v22;
	[tilespmem:v21+s7+$0x0] =	vst.idx.add.s32.msk $0xffff, v3  }
0x55: {  	v14 =	vor.u32 v15, v14  }
0x56: {  	v5 =	vor.u32 v17, v5  }
0x57: {  	v8 =	vor.u32 v18, v8  }
0x58: {  	v6 =	vand.u32 $0x7F, v6;
	v10 =	vor.u32 v16, v10  }
0x59: {  	v7 =	vand.u32 $0x7F, v7;
	v6 =	vor.u32 v6, v12  }
0x5a: {  	v9 =	vand.u32 $0x7F, v9;
	v7 =	vor.u32 v7, v11;
	[tilespmem:v14+s7+$0x0] =	vst.idx.add.s32.msk $0xffff, v3  }
0x5b: {  	v9 =	vor.u32 v9, v13;
	[tilespmem:v5+s7+$0x0] =	vst.idx.add.s32.msk $0xffff, v3  }
0x5c: {  	[tilespmem:v8+s7+$0x0] =	vst.idx.add.s32.msk $0xffff, v3  }
0x5d: {  	[tilespmem:v10+s7+$0x0] =	vst.idx.add.s32.msk $0xffff, v3  }
0x5e: {  	[tilespmem:v6+s7+$0x0] =	vst.idx.add.s32.msk $0xffff, v3  }
0x5f: {  	[tilespmem:v7+s7+$0x0] =	vst.idx.add.s32.msk $0xffff, v3  }
0x60: {  	[tilespmem:v9+s7+$0x0] =	vst.idx.add.s32.msk $0xffff, v3  }
0x61: {  	v6 =	vld [tilespmem:$0x10000]  }
0x62: {  	v7 =	vld [tilespmem:$0x10080]  }
0x63: {  	v8 =	vld [tilespmem:$0x10100]  }
0x64: {  	v9 =	vld [tilespmem:$0x10180]  }
0x65: {  	v10 =	vld [tilespmem:$0x10200]  }
0x66: {  	v11 =	vld [tilespmem:$0x10280]  }
0x67: {  	v13 =	vld [tilespmem:$0x10300]  }
0x68: {  	v14 =	vld [tilespmem:$0x10380]  }
0x69: {  	v18 =	vld [tilespmem:$0x10400]  }
0x6a: {  	v19 =	vld [tilespmem:$0x10480]  }
0x6b: {  	v20 =	vld [tilespmem:$0x10500]  }
0x6c: {  	v21 =	vld [tilespmem:$0x10580]  }
0x6d: {  	v22 =	vld [tilespmem:$0x10600]  }
0x6e: {  	v23 =	vld [tilespmem:$0x10680]  }
0x6f: {  	v24 =	vld [tilespmem:$0x10700]  }
0x70: {  	v28 =	vld [tilespmem:$0x10780]  }
0x71: {  	v29 =	vld [tilespmem:$0x10010]  }
0x72: {  	v30 =	vld [tilespmem:$0x10090]  }
0x73: {  	v31 =	vld [tilespmem:$0x10110]  }
0x74: {  	v32 =	vld [tilespmem:$0x10190]  }
0x75: {  	v33 =	vld [tilespmem:$0x10210]  }
0x76: {  	v34 =	vld [tilespmem:$0x10290]  }
0x77: {  	v35 =	vld [tilespmem:$0x10310]  }
0x78: {  	v36 =	vld [tilespmem:$0x10390]  }
0x79: {  	v37 =	vld [tilespmem:$0x10410]  }
0x7a: {  	v38 =	vld [tilespmem:$0x10490]  }
0x7b: {  	v39 =	vld [tilespmem:$0x10510]  }
0x7c: {  	v40 =	vld [tilespmem:$0x10590]  }
0x7d: {  	v41 =	vld [tilespmem:$0x10610]  }
0x7e: {  	v42 =	vld [tilespmem:$0x10690]  }
0x7f: {  	v43 =	vld [tilespmem:$0x10710]  }
0x80: {  	v44 =	vld [tilespmem:$0x10790]  }
0x81: {  	v45 =	vld [tilespmem:$0x10020]  }
0x82: {  	v46 =	vld [tilespmem:$0x100A0]  }
0x83: {  	v47 =	vld [tilespmem:$0x10120]  }
0x84: {  	v48 =	vld [tilespmem:$0x101A0]  }
0x85: {  	v49 =	vld [tilespmem:$0x10220]  }
0x86: {  	v50 =	vld [tilespmem:$0x102A0]  }
0x87: {  	v51 =	vld [tilespmem:$0x10320]  }
0x88: {  	v52 =	vld [tilespmem:$0x103A0]  }
0x89: {  	v53 =	vld [tilespmem:$0x10420]  }
0x8a: {  	v54 =	vld [tilespmem:$0x104A0]  }
0x8b: {  	v55 =	vld [tilespmem:$0x10520]  }
0x8c: {  	v12 =	vld [tilespmem:$0x105A0]  }
0x8d: {  	v15 =	vld [tilespmem:$0x10620]  }
0x8e: {  	v25 =	vld [tilespmem:$0x106A0]  }
0x8f: {  	v26 =	vld [tilespmem:$0x10720]  }
0x90: {  	v27 =	vld [tilespmem:$0x107A0]  }
0x91: {  	v16 =	vld [tilespmem:$0x100B0]  }
0x92: {  	v17 =	vld [tilespmem:$0x10130]  }
0x93: {  	v63 =	vld [tilespmem:$0x10250]  }
0x94: {  	v57 =	vld [tilespmem:$0x102D0]  }
0x95: {  	v58 =	vld [tilespmem:$0x10350]  }
0x96: {  	v59 =	vld [tilespmem:$0x103D0]  }
0x97: {  	v5 =	vimm.s32 $0x0;
	v60 =	vld [tilespmem:$0x10450]  }
0x98: {  	[tilespmem:$0x10000] =	vst v5;
	v61 =	vld [tilespmem:$0x104D0]  }
0x99: {  	[tilespmem:$0x10080] =	vst v5;
	v6 =	vadd.s32 v6, v7;
	v7 =	vadd.s32 v29, v30;
	v29 =	vld [tilespmem:$0x10040]  }
0x9a: {  	[tilespmem:$0x10100] =	vst v5;
	v30 =	vld [tilespmem:$0x100C0]  }
0x9b: {  	[tilespmem:$0x10180] =	vst v5;
	v62 =	vadd.s32 v45, v46;
	v45 =	vld [tilespmem:$0x107C0]  }
0x9c: {  	[tilespmem:$0x10200] =	vst v5;
	v46 =	vld [tilespmem:$0x10050]  }
0x9d: {  	[tilespmem:$0x10280] =	vst v5;
	v6 =	vadd.s32 v8, v6;
	v8 =	vld [tilespmem:$0x10730]  }
0x9e: {  	[tilespmem:$0x10300] =	vst v5;
	v7 =	vadd.s32 v31, v7;
	v31 =	vld [tilespmem:$0x10140]  }
0x9f: {  	[tilespmem:$0x10380] =	vst v5;
	v6 =	vadd.s32 v9, v6;
	v9 =	vld [tilespmem:$0x106B0]  }
0xa0: {  	[tilespmem:$0x10400] =	vst v5;
	v6 =	vadd.s32 v10, v6;
	v10 =	vld [tilespmem:$0x10030]  }
0xa1: {  	[tilespmem:$0x10480] =	vst v5;
	v6 =	vadd.s32 v11, v6;
	v11 =	vld [tilespmem:$0x10630]  }
0xa2: {  	[tilespmem:$0x10500] =	vst v5;
	v6 =	vadd.s32 v13, v6;
	v13 =	vld [tilespmem:$0x105B0]  }
0xa3: {  	[tilespmem:$0x10580] =	vst v5;
	v6 =	vadd.s32 v14, v6;
	v14 =	vld [tilespmem:$0x10530]  }
0xa4: {  	[tilespmem:$0x10600] =	vst v5;
	v6 =	vadd.s32 v18, v6;
	v18 =	vld [tilespmem:$0x101B0]  }
0xa5: {  	[tilespmem:$0x10680] =	vst v5;
	v6 =	vadd.s32 v19, v6;
	v19 =	vld [tilespmem:$0x10230]  }
0xa6: {  	[tilespmem:$0x10700] =	vst v5;
	v16 =	vadd.s32 v10, v16;
	v10 =	vld [tilespmem:$0x107D0]  }
0xa7: {  	[tilespmem:$0x10780] =	vst v5;
	v6 =	vadd.s32 v20, v6;
	v20 =	vld [tilespmem:$0x102B0]  }
0xa8: {  	[tilespmem:$0x10010] =	vst v5;
	v16 =	vadd.s32 v17, v16;
	v17 =	vld [tilespmem:$0x10060]  }
0xa9: {  	[tilespmem:$0x10090] =	vst v5;
	v6 =	vadd.s32 v21, v6;
	v21 =	vld [tilespmem:$0x10330]  }
0xaa: {  	[tilespmem:$0x10110] =	vst v5;
	v6 =	vadd.s32 v22, v6;
	v22 =	vld [tilespmem:$0x103B0]  }
0xab: {  	[tilespmem:$0x10190] =	vst v5;
	v6 =	vadd.s32 v23, v6;
	v23 =	vld [tilespmem:$0x10430]  }
0xac: {  	[tilespmem:$0x10210] =	vst v5;
	v16 =	vadd.s32 v18, v16;
	v18 =	vld [tilespmem:$0x100E0]  }
0xad: {  	[tilespmem:$0x10290] =	vst v5;
	v6 =	vadd.s32 v24, v6;
	v24 =	vld [tilespmem:$0x104B0]  }
0xae: {  	[tilespmem:$0x10310] =	vst v5;
	v16 =	vadd.s32 v19, v16;
	v19 =	vld [tilespmem:$0x10160]  }
0xaf: {  	[tilespmem:$0x10390] =	vst v5;
	v6 =	vadd.s32 v28, v6;
	v28 =	vadd.s32 v32, v7;
	v7 =	vld [tilespmem:$0x107B0]  }
0xb0: {  	[tilespmem:$0x10410] =	vst v5;
	v32 =	vld [tilespmem:$0x101C0]  }
0xb1: {  	[tilespmem:$0x10490] =	vst v5;
	v16 =	vadd.s32 v20, v16;
	v20 =	vld [tilespmem:$0x101E0]  }
0xb2: {  	[tilespmem:$0x10510] =	vst v5;
	v28 =	vadd.s32 v33, v28;
	v33 =	vld [tilespmem:$0x10240]  }
0xb3: {  	[tilespmem:$0x10590] =	vst v5;
	v16 =	vadd.s32 v21, v16;
	v21 =	vld [tilespmem:$0x10260]  }
0xb4: {  	[tilespmem:$0x10610] =	vst v5;
	v28 =	vadd.s32 v34, v28;
	v34 =	vld [tilespmem:$0x102C0]  }
0xb5: {  	[tilespmem:$0x10690] =	vst v5;
	v16 =	vadd.s32 v22, v16;
	v22 =	vld [tilespmem:$0x102E0]  }
0xb6: {  	[tilespmem:$0x10710] =	vst v5;
	v28 =	vadd.s32 v35, v28;
	v35 =	vld [tilespmem:$0x10340]  }
0xb7: {  	[tilespmem:$0x10790] =	vst v5;
	v16 =	vadd.s32 v23, v16;
	v23 =	vld [tilespmem:$0x10360]  }
0xb8: {  	[tilespmem:$0x10020] =	vst v5;
	v17 =	vadd.s32 v17, v18;
	v18 =	vld [tilespmem:$0x101F0]  }
0xb9: {  	[tilespmem:$0x100A0] =	vst v5;
	v28 =	vadd.s32 v36, v28;
	v36 =	vld [tilespmem:$0x103C0]  }
0xba: {  	[tilespmem:$0x10120] =	vst v5;
	v16 =	vadd.s32 v24, v16;
	v24 =	vadd.s32 v29, v30;
	v29 =	vld [tilespmem:$0x103E0]  }
0xbb: {  	[tilespmem:$0x101A0] =	vst v5;
	v30 =	vld [tilespmem:$0x10760]  }
0xbc: {  	[tilespmem:$0x10220] =	vst v5;
	v17 =	vadd.s32 v19, v17;
	v19 =	vld [tilespmem:$0x10270]  }
0xbd: {  	[tilespmem:$0x102A0] =	vst v5;
	v28 =	vadd.s32 v37, v28;
	v37 =	vld [tilespmem:$0x10440]  }
0xbe: {  	[tilespmem:$0x10320] =	vst v5;
	v14 =	vadd.s32 v14, v16;
	v16 =	vadd.s32 v31, v24;
	v24 =	vld [tilespmem:$0x10460];
	v28 =	vadd.s32 v38, v28  }
0xbf: {  	[tilespmem:$0x103A0] =	vst v5;
	v31 =	vld [tilespmem:$0x10170];
	v28 =	vadd.s32 v39, v28  }
0xc0: {  	[tilespmem:$0x10420] =	vst v5;
	v17 =	vadd.s32 v20, v17;
	v20 =	vld [tilespmem:$0x102F0];
	v28 =	vadd.s32 v40, v28  }
0xc1: {  	[tilespmem:$0x104A0] =	vst v5;
	v38 =	vld [tilespmem:$0x104C0];
	v28 =	vadd.s32 v41, v28  }
0xc2: {  	[tilespmem:$0x10520] =	vst v5;
	v13 =	vadd.s32 v13, v14;
	v14 =	vadd.s32 v32, v16;
	v16 =	vld [tilespmem:$0x104E0];
	v28 =	vadd.s32 v42, v28  }
0xc3: {  	[tilespmem:$0x105A0] =	vst v5;
	v17 =	vadd.s32 v21, v17;
	v39 =	vld [tilespmem:$0x10540];
	v28 =	vadd.s32 v43, v28;
	v43 =	vadd.s32 v47, v62  }
0xc4: {  	[tilespmem:$0x10620] =	vst v5;
	v11 =	vadd.s32 v11, v13;
	v13 =	vadd.s32 v33, v14;
	v14 =	vld [tilespmem:$0x10560];
	v43 =	vadd.s32 v48, v43  }
0xc5: {  	[tilespmem:$0x106A0] =	vst v5;
	v17 =	vadd.s32 v22, v17;
	v22 =	vld [tilespmem:$0x103F0];
	v43 =	vadd.s32 v49, v43  }
0xc6: {  	[tilespmem:$0x10720] =	vst v5;
	v40 =	vld [tilespmem:$0x105C0];
	v43 =	vadd.s32 v50, v43  }
0xc7: {  	[tilespmem:$0x107A0] =	vst v5;
	v9 =	vadd.s32 v9, v11;
	v11 =	vadd.s32 v34, v13;
	v13 =	vld [tilespmem:$0x105E0];
	v43 =	vadd.s32 v51, v43  }
0xc8: {  	[tilespmem:$0x100B0] =	vst v5;
	v41 =	vld [tilespmem:$0x10640];
	v43 =	vadd.s32 v52, v43  }
0xc9: {  	[tilespmem:$0x10130] =	vst v5;
	v8 =	vadd.s32 v8, v9;
	v9 =	vadd.s32 v35, v11;
	v11 =	vld [tilespmem:$0x10660];
	v43 =	vadd.s32 v53, v43  }
0xca: {  	[tilespmem:$0x10250] =	vst v5;
	v42 =	vld [tilespmem:$0x106C0];
	v43 =	vadd.s32 v54, v43  }
0xcb: {  	[tilespmem:$0x102D0] =	vst v5;
	v7 =	vadd.s32 v7, v8;
	v8 =	vadd.s32 v36, v9;
	v9 =	vld [tilespmem:$0x106E0];
	v43 =	vadd.s32 v55, v43  }
0xcc: {  	[tilespmem:$0x10350] =	vst v5;
	v47 =	vld [tilespmem:$0x100D0];
	v12 =	vadd.s32 v12, v43  }
0xcd: {  	[tilespmem:$0x103D0] =	vst v5;
	v62 =	vld [tilespmem:$0x10650];
	v12 =	vadd.s32 v15, v12  }
0xce: {  	[tilespmem:$0x10450] =	vst v5;
	v48 =	vld [tilespmem:$0x10150];
	v12 =	vadd.s32 v25, v12  }
0xcf: {  	[tilespmem:$0x104D0] =	vst v5;
	(xrf0) =	vadd.scan.msk.s32 $0xffff, v6;
	v28 =	vadd.s32 v44, v28;
	v49 =	vld [tilespmem:$0x101D0];
	v12 =	vadd.s32 v26, v12  }
0xd0: {  	[tilespmem:$0x10810] =	vst v28;
	(xrf0) =	vadd.scan.msk.s32 $0xffff, v28;
	v28 =	vld [tilespmem:$0x10070];
	v27 =	vadd.s32 v27, v12  }
0xd1: {  	[tilespmem:$0x10820] =	vst v27;
	(xrf0) =	vadd.scan.msk.s32 $0xffff, v27;
	v27 =	vld [tilespmem:$0x100F0]  }
0xd2: {  	v17 =	vadd.s32 v23, v17;
	[tilespmem:$0x10830] =	vst v7;
	v44 =	vld [tilespmem:$0x10740];
	(xrf0) =	vadd.scan.msk.s32 $0xffff, v7;
	v7 =	vadd.s32 v46, v47  }
0xd3: {  	[tilespmem:$0x10040] =	vst v5;
	v17 =	vadd.s32 v29, v17;
	v15 =	vld [tilespmem:$0x106D0];
	v7 =	vadd.s32 v48, v7  }
0xd4: {  	[tilespmem:$0x100C0] =	vst v5;
	v17 =	vadd.s32 v24, v17;
	v8 =	vadd.s32 v37, v8;
	v25 =	vld [tilespmem:$0x10550];
	v7 =	vadd.s32 v49, v7  }
0xd5: {  	[tilespmem:$0x10800] =	vst v6;
	v16 =	vadd.s32 v16, v17;
	v6 =	vadd.s32 v38, v8;
	v26 =	vld [tilespmem:$0x105D0];
	v7 =	vadd.s32 v63, v7  }
0xd6: {  	[tilespmem:$0x107C0] =	vst v5;
	v14 =	vadd.s32 v14, v16;
	v7 =	vadd.s32 v57, v7;
	v21 =	vadd.s32 v28, v27;
	v27 =	vld [tilespmem:$0x10370]  }
0xd7: {  	[tilespmem:$0x10050] =	vst v5;
	v6 =	vadd.s32 v39, v6;
	v12 =	vld [tilespmem:$0x10750];
	v7 =	vadd.s32 v58, v7;
	v21 =	vadd.s32 v31, v21  }
0xd8: {  	[tilespmem:$0x10730] =	vst v5;
	v13 =	vadd.s32 v13, v14;
	v7 =	vadd.s32 v59, v7;
	v18 =	vadd.s32 v18, v21;
	v21 =	vld [tilespmem:$0x10470]  }
0xd9: {  	[tilespmem:$0x10140] =	vst v5;
	v6 =	vadd.s32 v40, v6;
	v7 =	vadd.s32 v60, v7;
	v18 =	vadd.s32 v19, v18;
	v19 =	vld [tilespmem:$0x104F0]  }
0xda: {  	[tilespmem:$0x106B0] =	vst v5;
	v11 =	vadd.s32 v11, v13;
	v7 =	vadd.s32 v61, v7;
	v18 =	vadd.s32 v20, v18;
	v20 =	vld [tilespmem:$0x10570]  }
0xdb: {  	[tilespmem:$0x10030] =	vst v5;
	v6 =	vadd.s32 v41, v6;
	v7 =	vadd.s32 v25, v7;
	v17 =	vadd.s32 v27, v18;
	v18 =	vld [tilespmem:$0x105F0]  }
0xdc: {  	[tilespmem:$0x10630] =	vst v5;
	v6 =	vadd.s32 v42, v6;
	v7 =	vadd.s32 v26, v7;
	v16 =	vadd.s32 v22, v17  }
0xdd: {  	[tilespmem:$0x105B0] =	vst v5;
	v8 =	vld [tilespmem:$0x107E0];
	v6 =	vadd.s32 v44, v6;
	v7 =	vadd.s32 v62, v7;
	v14 =	vadd.s32 v21, v16  }
0xde: {  	[tilespmem:$0x10530] =	vst v5;
	v6 =	vadd.s32 v45, v6;
	v17 =	vld [tilespmem:$0x10670];
	v7 =	vadd.s32 v15, v7;
	v13 =	vadd.s32 v19, v14  }
0xdf: {  	v9 =	vadd.s32 v9, v11;
	[tilespmem:$0x10840] =	vst v6;
	v7 =	vadd.s32 v12, v7;
	v11 =	vadd.s32 v20, v13  }
0xe0: {  	(xrf0) =	vadd.scan.msk.s32 $0xffff, v6;
	v6 =	vadd.s32 v10, v7;
	v7 =	vadd.s32 v30, v9;
	v9 =	vadd.s32 v18, v11  }
0xe1: {  	[tilespmem:$0x101B0] =	vst v5;
	v13 =	vld [tilespmem:$0x1FFC0]  }
0xe2: {  	[tilespmem:$0x10230] =	vst v5  }
0xe3: {  	[tilespmem:$0x107D0] =	vst v5;
	v7 =	vadd.s32 v8, v7;
	v8 =	vadd.s32 v17, v9;
	v9, _, _ =	vpop (xrf0)  }
0xe4: {  	[tilespmem:$0x102B0] =	vst v5;
	v9 =	vbroadcast v9, $0xF  }
0xe5: {  	vm0 =	vcmask $0x2320;
	[tilespmem:$0x10060] =	vst v5  }
0xe6: {  	[tilespmem:$0x10330] =	vst v5;
	v9 =	vnsel vm0, $0x0, v9;
	vm0 =	vnez.u8 v13;
	v13 =	vld [tilespmem:$0x1FFD0]  }
0xe7: {  	[tilespmem:$0x103B0] =	vst v5  }
0xe8: {  	[tilespmem:$0x10430] =	vst v5;
	v10, _, _ =	vpop (xrf0)  }
0xe9: {  	[tilespmem:$0x100E0] =	vst v5;
	v16 =	vld [tilespmem:$0x106F0];
	v10 =	vbroadcast v10, $0xF  }
0xea: {  	[tilespmem:$0x104B0] =	vst v5;
	v14 =	vld [tilespmem:$0x10770]  }
0xeb: {  	[tilespmem:$0x10160] =	vst v5;
	v9 =	vsel vm0, v9, v10;
	vm0 =	vnez.u8 v13;
	v13 =	vld [tilespmem:$0x1FFE0]  }
0xec: {  	[tilespmem:$0x107B0] =	vst v5;
	v12 =	vld [tilespmem:$0x107F0]  }
0xed: {  	[tilespmem:$0x101C0] =	vst v5;
	(xrf0) =	vadd.scan.msk.s32 $0xffff, v6;
	v11, _, _ =	vpop (xrf0)  }
0xee: {  	[tilespmem:$0x101E0] =	vst v5;
	v11 =	vbroadcast v11, $0xF  }
0xef: {  	[tilespmem:$0x10240] =	vst v5;
	v8 =	vadd.s32 v16, v8;
	(xrf0) =	vadd.scan.msk.s32 $0xffff, v7  }
0xf0: {  	[tilespmem:$0x10260] =	vst v5;
	v8 =	vadd.s32 v14, v8;
	v9 =	vsel vm0, v9, v11;
	vm0 =	vnez.u8 v13;
	v13 =	vld [tilespmem:$0x1FFF0]  }
0xf1: {  	[tilespmem:$0x102C0] =	vst v5;
	v8 =	vadd.s32 v12, v8;
	v12, _, _ =	vpop (xrf0)  }
0xf2: {  	[tilespmem:$0x102E0] =	vst v5;
	(xrf0) =	vadd.scan.msk.s32 $0xffff, v8;
	v10 =	vbroadcast v12, $0xF;
	v12, _, _ =	vpop (xrf0)  }
0xf3: {  	[tilespmem:$0x10340] =	vst v5;
	v11 =	vbroadcast v12, $0xF;
	v12, _, _ =	vpop (xrf0)  }
0xf4: {  	[tilespmem:$0x10360] =	vst v5;
	v9 =	vsel vm0, v9, v10;
	v10 =	vbroadcast v12, $0xF  }
0xf5: {  	[tilespmem:$0x101F0] =	vst v5;
	v12, _, _ =	vpop (xrf0);
	vm0 =	vnez.u8 v13  }
0xf6: {  	[tilespmem:$0x103C0] =	vst v5;
	v9 =	vsel vm0, v9, v11;
	v11 =	vbroadcast v12, $0xF  }
0xf7: {  	[tilespmem:$0x103E0] =	vst v5;
	v9 =	vsel vm5, v9, v10  }
0xf8: {  	[tilespmem:$0x10760] =	vst v5;
	v10, _, _ =	vpop (xrf0);
	v9 =	vsel vm6, v9, v11  }
0xf9: {  	[tilespmem:$0x10270] =	vst v5;
	v9 =	vsel vm7, v9, v10  }
0xfa: {  	[tilespmem:$0x10440] =	vst v5;
	v9 =	vperm.xlane v9, v4  }
0xfb: {  	[tilespmem:$0x10460] =	vst v5  }
0xfc: {  	[tilespmem:$0x10170] =	vst v5;
	(xrf0) =	vadd.scan.msk.s32 $0xffff, v9  }
0xfd: {  	[tilespmem:$0x102F0] =	vst v5  }
0xfe: {  	[tilespmem:$0x104C0] =	vst v5  }
0xff: {  	[tilespmem:$0x104E0] =	vst v5  }
0x100: {  	[tilespmem:$0x10540] =	vst v5  }
0x101: {  	[tilespmem:$0x10560] =	vst v5  }
0x102: {  	[tilespmem:$0x10850] =	vst v6;
	v6, _, _ =	vpop (xrf0)  }
0x103: {  	[tilespmem:$0x103F0] =	vst v5;
	vm0 =	vgt.s32 v6, $0xCB  }
0x104: {  	[tilespmem:$0x105C0] =	vst v5;
	v10 =	vmctz.xlane vm0  }
0x105: {  	[tilespmem:$0x105E0] =	vst v5  }
0x106: {  	[tilespmem:$0x10640] =	vst v5;
	vm0 =	veq.s32 v10, v0  }
0x107: {  	[tilespmem:$0x10660] =	vst v5;
	v10 =	vnsel vm0, $0x0, v0  }
0x108: {  	[tilespmem:$0x106C0] =	vst v5;
	(xrf0) =	vadd.scan.msk.s32 $0xffff, v10  }
0x109: {  	[tilespmem:$0x106E0] =	vst v5  }
0x10a: {  	[tilespmem:$0x100D0] =	vst v5  }
0x10b: {  	[tilespmem:$0x10650] =	vst v5  }
0x10c: {  	[tilespmem:$0x10740] =	vst v5  }
0x10d: {  	[tilespmem:$0x10150] =	vst v5  }
0x10e: {  	[tilespmem:$0x107E0] =	vst v5;
	v10, _, _ =	vpop (xrf0)  }
0x10f: {  	[tilespmem:$0x101D0] =	vst v5;
	(v2sf) =	vpush v10, $0xF  }
0x110: {  	[tilespmem:$0x10070] =	vst v5  }
0x111: {  	[tilespmem:$0x106D0] =	vst v5  }
0x112: {  	[tilespmem:$0x10550] =	vst v5  }
0x113: {  	[tilespmem:$0x105D0] =	vst v5  }
0x114: {  	[tilespmem:$0x10750] =	vst v5  }
0x115: {  	[tilespmem:$0x100F0] =	vst v5  }
0x116: {  	[tilespmem:$0x10370] =	vst v5  }
0x117: {  	[tilespmem:$0x10470] =	vst v5  }
0x118: {  	[tilespmem:$0x104F0] =	vst v5  }
0x119: {  	[tilespmem:$0x10570] =	vst v5  }
0x11a: {  	[tilespmem:$0x105F0] =	vst v5  }
0x11b: {  	[tilespmem:$0x10670] =	vst v5  }
0x11c: {  	[tilespmem:$0x106F0] =	vst v5  }
0x11d: {  	[tilespmem:$0x10770] =	vst v5  }
0x11e: {  	[tilespmem:$0x107F0] =	vst v5;
	s17 =	spop (v2sf)  }
0x11f: {  	[tilespmem:$0x10860] =	vst v7;
	s17 =	sshll.u32 s17, $0x4  }
0x120: {  	[tilespmem:$0x10870] =	vst v8;
	s18 =	ssub.s32 $0x10870, s17  }
0x121: {  	v7 =	vld [tilespmem:s18+$0x0];
	_ =	sdelay $0x2  }
0x122: {  	v6 =	vsub.s32 v6, v9  }
0x123: {  	v6 =	vnsel vm0, $0x0, v6  }
0x124: {  	(xrf0) =	vadd.scan.msk.s32 $0xffff, v6;
	v10 =	vperm.xlane v7, v4;
	_ =	sdelay $0x1  }
0x125: {  	(xrf0) =	vadd.scan.msk.s32 $0xffff, v10;
	_ =	sdelay $0x3  }
0x126: {  	v9, _, _ =	vpop (xrf0)  }
0x127: {  	v6 =	vbroadcast v9, $0xF  }
0x128: {  	v11, _, _ =	vpop (xrf0)  }
0x129: {  	v6 =	vadd.s32 v11, v6  }
0x12a: {  	vm0 =	vgt.s32 v6, $0xCB  }
0x12b: {  	v6 =	vmctz.xlane vm0;
	_ =	sdelay $0x1  }
0x12c: {  	vm9 =	veq.s32 v6, v0  }
0x12d: {  	v6 =	vnsel vm9, $0x0, v0  }
0x12e: {  	(xrf0) =	vadd.scan.msk.s32 $0xffff, v6;
	_ =	sdelay $0x5  }
0x12f: {  	v6, _, _ =	vpop (xrf0)  }
0x130: {  	(v2sf) =	vpush v6, $0xF;
	_ =	sdelay $0x7  }
0x131: {  	v17 =	vmov s16  }
0x132: {  	s26 =	simm.s32 $0x0  }
0x133: {  	s28 =	sand.u32 $0x3C00, s26  }
0x134: {  	s16 =	sand.u32 $0x40, s26;
	s18 =	sadd.s32 s28, s15  }
0x135: {  	s18 =	sadd.s32 s16, s18  }
0x136: {  	v20 =	vld.idx.msk [tilespmem:v17+s18+$0x0 ss:$0x1], $0xffff  }
0x137: {  	v8 =	vld.idx.msk [tilespmem:v17+s18+$0x10 ss:$0x1], $0xffff  }
0x138: {  	v6 =	vld.idx.msk [tilespmem:v17+s18+$0x20 ss:$0x1], $0xffff;
	s29 =	spop (v2sf)  }
0x139: {  	s16 =	sadd.s32 s29, s17  }
0x13a: {  	v7 =	vld.idx.msk [tilespmem:v17+s18+$0x30 ss:$0x1], $0xffff;
	s16 =	ssub.s32 $0x7F, s16  }
0x13b: {  	v12 =	vshrl.u32 v20, $0x17;
	v15 =	vmov s16  }
0x13c: {  	s30 =	simm.s32 $0x200;
	vm1 =	veq.s32 v12, v15;
	v12 =	vshrl.u32 v8, $0x17  }
0x13d: {  	s31 =	simm.s32 $0x40;
	s17 =	sand.u32 $0x3C00, s30;
	v13 =	vmpcnt.ones.xlane vm1;
	vm0 =	veq.s32 v12, v15;
	v12 =	vshrl.u32 v6, $0x17  }
0x13e: {  	s18 =	sand.u32 $0x40, s31;
	s17 =	sadd.s32 s17, s15;
	vm2 =	veq.s32 v12, v15  }
0x13f: {  	s17 =	sadd.s32 s18, s17;
	v12 =	vshrl.u32 v7, $0x17;
	v22 =	vadd.s32 v5, v13;
	v13 =	vsel vm1, $0x1, v1  }
0x140: {  	v21 =	vld.idx.msk [tilespmem:v17+s17+$0x10 ss:$0x1], $0xffff;
	v24 =	vsel vm1, $0xFFFFFFFF, v1;
	vm3 =	veq.s32 v12, v15;
	v12 =	vsel vm0, $0x1, v1;
	(xrf0) =	vadd.scan.msk.s32 $0xffff, v13  }
0x141: {  	v14 =	vmpcnt.ones.xlane vm0;
	v26 =	vsel vm0, $0xFFFFFFFF, v1;
	vm10 =	vmmov vm0;
	v13 =	vld.idx.msk [tilespmem:v17+s17+$0x0 ss:$0x1], $0xffff;
	(xrf0) =	vadd.scan.msk.s32 $0xffff, v12  }
0x142: {  	v16 =	vmpcnt.ones.xlane vm2;
	v23 =	vsel vm2, $0x1, v1;
	v19 =	vsel vm2, $0xFFFFFFFF, v1  }
0x143: {  	vm1 =	vmmov vm1;
	vm11 =	vmmov vm2;
	v5 =	vadd.s32 v24, v5;
	v12 =	vld.idx.msk [tilespmem:v17+s17+$0x20 ss:$0x1], $0xffff  }
0x144: {  	v14 =	vadd.s32 v22, v14;
	v18 =	vmpcnt.ones.xlane vm3;
	v25 =	vsel vm3, $0x1, v1  }
0x145: {  	v27 =	vsel vm3, $0xFFFFFFFF, v1;
	v16 =	vadd.s32 v14, v16;
	v19 =	vadd.s32 v19, v14;
	v14 =	vld.idx.msk [tilespmem:v17+s17+$0x30 ss:$0x1], $0xffff  }
0x146: {  	v22 =	vadd.s32 v26, v22;
	v26 =	vshrl.u32 v13, $0x17;
	v24, _, _ =	vpop (xrf0);
	(xrf0) =	vadd.scan.msk.s32 $0xffff, v23;
	v23 =	vshrl.u32 v21, $0x17  }
0x147: {  	vm14 =	veq.s32 v26, v15;
	v5 =	vadd.s32 v24, v5;
	v24, _, _ =	vpop (xrf0);
	vm13 =	veq.s32 v23, v15  }
0x148: {  	v23 =	vshrl.u32 v12, $0x17;
	v22 =	vadd.s32 v24, v22;
	v24 =	vmpcnt.ones.xlane vm14  }
0x149: {  	v18 =	vadd.s32 v16, v18;
	(xrf0) =	vadd.scan.msk.s32 $0xffff, v25;
	v26 =	vmpcnt.ones.xlane vm13;
	vm0 =	veq.s32 v23, v15  }
0x14a: {  	s17 =	simm.s32 $0x400;
	v23 =	vshrl.u32 v14, $0x17;
	v25 =	vadd.s32 v18, v24;
	v24 =	vmpcnt.ones.xlane vm0  }
0x14b: {  	s18 =	simm.s32 $0x80;
	vm12 =	vmmov vm3;
	v16 =	vadd.s32 v27, v16;
	s19 =	sand.u32 $0x3C00, s17;
	vm15 =	veq.s32 v23, v15  }
0x14c: {  	s20 =	sand.u32 $0x40, s18;
	s19 =	sadd.s32 s19, s15;
	v27 =	vadd.s32 v25, v26;
	v26 =	vsel vm13, $0x1, v1;
	[tilespmem:v5+s8+$0x0] =	vst.idx.msk vm1, v20;
	v5 =	vsel vm14, $0x1, v1  }
0x14d: {  	s20 =	sadd.s32 s20, s19;
	v28 =	vsel vm14, $0xFFFFFFFF, v1;
	v30 =	vsel vm13, $0xFFFFFFFF, v1;
	v20 =	vmpcnt.ones.xlane vm15;
	(xrf0) =	vadd.scan.msk.s32 $0xffff, v5  }
0x14e: {  	v63 =	vsel vm0, $0x1, v1;
	v31 =	vsel vm0, $0xFFFFFFFF, v1;
	v29 =	vadd.s32 v27, v24;
	v5 =	vld.idx.msk [tilespmem:v17+s20+$0x0 ss:$0x1], $0xffff;
	v24, _, _ =	vpop (xrf0);
	(xrf0) =	vadd.scan.msk.s32 $0xffff, v26  }
0x14f: {  	s19 =	simm.s32 $0x8;
	v33 =	vsel vm15, $0x1, v1;
	v32 =	vsel vm15, $0xFFFFFFFF, v1;
	v23 =	vadd.s32 v29, v20;
	v20 =	vld.idx.msk [tilespmem:v17+s20+$0x10 ss:$0x1], $0xffff;
	v26, _, _ =	vpop (xrf0);
	(xrf0) =	vadd.scan.msk.s32 $0xffff, v63  }
.LBB2_7:
0x150: {  	v27 =	vadd.s32 v31, v27;
	v29 =	vadd.s32 v32, v29;
	vm1 =	vmmov vm14  }
0x151: {  	s19 =	sadd.s32 $0x4, s19;
	v34 =	vld.idx.msk [tilespmem:v17+s20+$0x20 ss:$0x1], $0xffff;
	(xrf0) =	vadd.scan.msk.s32 $0xffff, v33;
	vm3 =	vmmov vm11;
	vm11 =	vmmov vm0;
	vm2 =	vmmov vm12  }
0x152: {  	v28 =	vadd.s32 v28, v18;
	v25 =	vadd.s32 v30, v25;
	v30 =	vadd.s32 v24, v19;
	p0 =	slt.u32 s19, $0x7C;
	v31 =	vld.idx.msk [tilespmem:v17+s20+$0x30 ss:$0x1], $0xffff  }
0x153: {  	v32 =	vadd.s32 v26, v16;
	v18 =	vmovc v23;
	v19 =	vmov v27;
	v16 =	vmov v29;
	[tilespmem:v22+s8+$0x0] =	vst.idx.msk vm10, v8  }
0x154: {  	vm12 =	vmmov vm15;
	v8 =	vmov v21;
	vm10 =	vmmov vm13;
	v22, _, _ =	vpop (xrf0)  }
0x155: {  	v21 =	vshrl.u32 v5, $0x17;
	v28 =	vadd.s32 v22, v28;
	v22, _, _ =	vpop (xrf0)  }
0x156: {  	vm14 =	veq.s32 v21, v15;
	v21 =	vshrl.u32 v20, $0x17;
	v22 =	vadd.s32 v22, v25;
	v24, _, _ =	vpop (xrf0)  }
0x157: {  	v25 =	vmpcnt.ones.xlane vm14;
	vm13 =	veq.s32 v21, v15;
	v21 =	vshrl.u32 v34, $0x17;
	v26, _, _ =	vpop (xrf0);
	[tilespmem:v30+s8+$0x0] =	vst.idx.msk vm3, v6  }
0x158: {  	s17 =	sadd.s32 $0x200, s17;
	v27 =	vmpcnt.ones.xlane vm13;
	vm0 =	veq.s32 v21, v15;
	v21 =	vshrl.u32 v31, $0x17;
	v6 =	vmovc v12;
	[tilespmem:v32+s8+$0x0] =	vst.idx.msk vm2, v7  }
.Ltmp6:
0x159: {  	s18 =	sadd.s32 $0x40, s18;
	s20 =	sand.u32 $0x3C00, s17;
	v12 =	vmovc v34;
	v25 =	vadd.s32 v23, v25;
	v23 =	vmpcnt.ones.xlane vm0;
	vm15 =	veq.s32 v21, v15;
	v7 =	vmovc v14;
	(pc) =	sbr.rel @p0 .LBB2_7-.Ltmp6, $4  }
0x15a: {  	s21 =	sand.u32 $0x40, s18;
	s20 =	sadd.s32 s20, s15;
	v32 =	vsel vm14, $0x1, v1;
	v14 =	vmovc v31;
	v27 =	vadd.s32 v25, v27;
	v30 =	vmpcnt.ones.xlane vm15;
	[tilespmem:v28+s8+$0x0] =	vst.idx.msk vm1, v13  }
0x15b: {  	s20 =	sadd.s32 s21, s20;
	v31 =	vsel vm13, $0x1, v1;
	v34 =	vsel vm0, $0x1, v1;
	v29 =	vadd.s32 v27, v23;
	v13 =	vmovc v5;
	(xrf0) =	vadd.scan.msk.s32 $0xffff, v32  }
0x15c: {  	v33 =	vsel vm15, $0x1, v1;
	v28 =	vsel vm14, $0xFFFFFFFF, v1;
	v21 =	vmovc v20;
	v23 =	vadd.s32 v29, v30;
	v5 =	vld.idx.msk [tilespmem:v17+s20+$0x0 ss:$0x1], $0xffff;
	(xrf0) =	vadd.scan.msk.s32 $0xffff, v31  }
0x15d: {  	v30 =	vsel vm13, $0xFFFFFFFF, v1;
	v32 =	vsel vm15, $0xFFFFFFFF, v1;
	v31 =	vsel vm0, $0xFFFFFFFF, v1;
	v20 =	vld.idx.msk [tilespmem:v17+s20+$0x10 ss:$0x1], $0xffff;
	(xrf0) =	vadd.scan.msk.s32 $0xffff, v34  }
0x15e: {  	_ =	sdelay $0x3  }
0x15f: {  	v34 =	vld.idx.msk [tilespmem:v17+s20+$0x20 ss:$0x1], $0xffff  }
0x160: {  	v17 =	vld.idx.msk [tilespmem:v17+s20+$0x30 ss:$0x1], $0xffff;
	_ =	sdelay $0x1  }
0x161: {  	v35 =	vshrl.u32 v5, $0x17  }
0x162: {  	vm2 =	veq.s32 v35, v15;
	v63 =	vshrl.u32 v20, $0x17  }
0x163: {  	v36 =	vmpcnt.ones.xlane vm2;
	vm1 =	veq.s32 v63, v15;
	v40 =	vshrl.u32 v34, $0x17  }
0x164: {  	(xrf0) =	vadd.scan.msk.s32 $0xffff, v33;
	v42 =	vsel vm2, $0x1, v1;
	v37 =	vshrl.u32 v17, $0x17;
	v41 =	vmpcnt.ones.xlane vm1  }
0x165: {  	vm4 =	veq.s32 v40, v15;
	v38 =	vsel vm1, $0x1, v1;
	(xrf0) =	vadd.scan.msk.s32 $0xffff, v42;
	vm3 =	veq.s32 v37, v15  }
0x166: {  	v36 =	vadd.s32 v23, v36;
	v43 =	vmpcnt.ones.xlane vm4;
	v44 =	vsel vm4, $0x1, v1;
	(xrf0) =	vadd.scan.msk.s32 $0xffff, v38  }
0x167: {  	v45, _, _ =	vpop (xrf0);
	v46 =	vmpcnt.ones.xlane vm3;
	v39 =	vsel vm3, $0x1, v1;
	v33 =	vadd.s32 v36, v41;
	(xrf0) =	vadd.scan.msk.s32 $0xffff, v44  }
0x168: {  	v11 =	vnsel vm9, $0x0, v11;
	v47, _, _ =	vpop (xrf0);
	v35 =	vadd.s32 v33, v43;
	(xrf0) =	vadd.scan.msk.s32 $0xffff, v39  }
0x169: {  	v10 =	vnsel vm9, $0x0, v10;
	v48, _, _ =	vpop (xrf0);
	v38 =	vadd.s32 v35, v46;
	(xrf0) =	vadd.scan.msk.s32 $0xffff, v11  }
0x16a: {  	v49, _, _ =	vpop (xrf0);
	(xrf0) =	vadd.scan.msk.s32 $0xffff, v10;
	v50 =	vnsel vm8, $0x0, v38  }
0x16b: {  	v51, _, _ =	vpop (xrf0);
	(xrf0) =	vadd.scan.msk.s32 $0xffff, v50  }
0x16c: {  	v52, _, _ =	vpop (xrf0)  }
0x16d: {  	v40, _, _ =	vpop (xrf0)  }
0x16e: {  	v41, _, _ =	vpop (xrf0)  }
0x16f: {  	(v2sf) =	vpush v9, $0xF;
	v53, _, _ =	vpop (xrf0)  }
0x170: {  	(v2sf) =	vpush v53, $0xF;
	v54, _, _ =	vpop (xrf0)  }
0x171: {  	(v2sf) =	vpush v54, $0xF;
	v55, _, _ =	vpop (xrf0)  }
0x172: {  	v27 =	vadd.s32 v31, v27;
	(v2sf) =	vpush v55, $0xF  }
0x173: {  	v29 =	vadd.s32 v32, v29;
	v56 =	vadd.s32 v28, v18;
	vm9 =	vmmov vm11  }
0x174: {  	v57 =	vadd.s32 v30, v25;
	v19 =	vadd.s32 v24, v19;
	v16 =	vadd.s32 v26, v16  }
0x175: {  	vm11 =	vmmov vm14;
	vm0 =	vmmov vm0;
	vm12 =	vmmov vm12  }
0x176: {  	vm13 =	vmmov vm13;
	vm14 =	vmmov vm15;
	vm0 =	vmmov vm0  }
0x177: {  	v9 =	vadd.s32 v45, v56;
	v59 =	vsel vm2, $0xFFFFFFFF, v1;
	vm2 =	vmmov vm2  }
0x178: {  	v15 =	vadd.s32 v47, v57;
	v60 =	vadd.s32 v48, v27;
	v61 =	vsel vm1, $0xFFFFFFFF, v1  }
0x179: {  	[tilespmem:v19+s8+$0x0] =	vst.idx.msk vm9, v6;
	v6 =	vadd.s32 v59, v23;
	vm1 =	vmmov vm1;
	v58 =	vsel vm4, $0xFFFFFFFF, v1  }
0x17a: {  	[tilespmem:v22+s8+$0x0] =	vst.idx.msk vm10, v8;
	v62 =	vsel vm3, $0xFFFFFFFF, v1;
	vm4 =	vmmov vm4;
	v11 =	vadd.s32 v49, v29  }
0x17b: {  	[tilespmem:v16+s8+$0x0] =	vst.idx.msk vm12, v7;
	vm3 =	vmmov vm3;
	v7 =	vadd.s32 v61, v36;
	v6 =	vadd.s32 v51, v6  }
0x17c: {  	vm4 =	vmmov vm4;
	v18 =	vadd.s32 v58, v33;
	[tilespmem:v9+s8+$0x0] =	vst.idx.msk vm11, v13;
	v7 =	vadd.s32 v52, v7  }
0x17d: {  	vm3 =	vmmov vm3;
	v8 =	vadd.s32 v62, v35;
	[tilespmem:v15+s8+$0x0] =	vst.idx.msk vm13, v21;
	v63 =	vadd.s32 v40, v18  }
0x17e: {  	[tilespmem:v60+s8+$0x0] =	vst.idx.msk vm0, v12;
	s15 =	spop (v2sf);
	v8 =	vadd.s32 v41, v8  }
0x17f: {  	[tilespmem:v11+s8+$0x0] =	vst.idx.msk vm14, v14;
	s17 =	spop (v2sf)  }
.Ltmp7:
0x180: {  	[tilespmem:v6+s8+$0x0] =	vst.idx.msk vm2, v5;
	s18 =	spop (v2sf);
	(pc) =	sbr.rel .LBB2_9-.Ltmp7, $4  }
0x181: {  	[tilespmem:v7+s8+$0x0] =	vst.idx.msk vm1, v20;
	s15 =	sadd.s32 s17, s15;
	s19 =	spop (v2sf)  }
0x182: {  	[tilespmem:v63+s8+$0x0] =	vst.idx.msk vm4, v34;
	s15 =	ssub.s32 s18, s15;
	s31 =	sadd.s32 $0xF, s19  }
0x183: {  	[tilespmem:v8+s8+$0x0] =	vst.idx.msk vm3, v17;
	s17 =	sadd.s32 $0xCC, s15;
	s15 =	sshll.u32 s16, $0x17;
	s18 =	sshrl.u32 s31, $0x4  }
0x184: {  	vm10 =	vmmov vm14;
	[tilespmem:s19+$0x10880] =	vst v1;
	s16 =	simm.s32 $0x0;
	s19 =	simm.s32 $0x0;
	p0 =	seq.s32 s18, $0x0  }
.LBB2_10:
0x185: {  	v5 =	vimm.s32 $0x0  }
.LBB2_14:
0x186: {  	(xrf0) =	vadd.scan.msk.s32 $0xffff, v5;
	_ =	sdelay $0x5  }
0x187: {  	v5, _, _ =	vpop (xrf0)  }
0x188: {  	(v2sf) =	vpush v5, $0xF;
	_ =	sdelay $0xe  }
0x189: {  	s21 =	spop (v2sf)  }
0x18a: {  	s19 =	sadd.s32 $0x1, s19;
	p1 =	slt.s32 s21, s17  }
0x18b: {  	s20 =	smov.u32 @p1 s16;
	p1 =	sne.s32 s19, $0x17  }
.Ltmp8:
0x18c: {  	_ = 	snop;
	(pc) =	sbr.rel @!p1 .LBB2_15-.Ltmp8, $2  }
0x18d: {  	_ =	sdelay $0x2  }
0x18e: {  	s16 =	smov.u32 s20  }
.LBB2_9:
.Ltmp9:
0x18f: {  	(pc) =	sbr.rel @p0 .LBB2_10-.Ltmp9, $3  }
0x190: {  	_ =	sdelay $0x1  }
0x191: {  	s20 =	sshrl.u32 s9, s19  }
0x192: {  	s20 =	sor.u32 s20, s16  }
0x193: {  	s21 =	simm.s32 $0x10880  }
0x194: {  	p1 =	sne.s32 s18, $0x1;
	v7 =	vld [tilespmem:s21+$0x0]  }
.Ltmp10:
0x195: {  	_ = 	snop;
	(pc) =	sbr.rel @!p1 .LBB2_13-.Ltmp10, $4  }
0x196: {  	_ = 	snop  }
0x197: {  	s31 =	sor.u32 s15, s20  }
0x198: {  	v6 =	vmov s31  }
0x199: {  	v5 =	vimm.s32 $0x0;
	s22 =	simm.s32 $0x10890;
	s21 =	sadd.s32 $0xFFFFFFFF, s18;
	vm0 =	vge.s32 v7, v6  }
.LBB2_12:
0x19a: {  	v7 =	vld [tilespmem:s22+$0x0];
	p1 =	sne.s32 s21, $0x1;
	s21 =	sadd.s32 $0xFFFFFFFF, s21;
	v8 =	vsel vm0, $0x1, v1  }
.Ltmp11:
0x19b: {  	v5 =	vadd.s32 v8, v5;
	(pc) =	sbr.rel @p1 .LBB2_12-.Ltmp11, $2  }
0x19c: {  	_ =	sdelay $0x2  }
0x19d: {  	s22 =	sadd.s32 $0x10, s22;
	vm0 =	vge.s32 v7, v6  }
.LBB2_13:
.Ltmp12:
0x19e: {  	(pc) =	sbr.rel .LBB2_14-.Ltmp12, $3  }
0x19f: {  	_ =	sdelay $0x1  }
0x1a0: {  	v6 =	vsel vm0, $0x1, v1  }
0x1a1: {  	v5 =	vadd.s32 v6, v5  }
.LBB2_17:
0x1a2: {  	_ =	sfence.sel $0x180000  }
0x1a3: {  	[bflag:$0x0] =	sbarrier.arrive $0xFFFF  }
0x1a4: {  	p0 =	sne.s32 s1, $0x0;
	_ =	strace $0x90000047  }
0x1a5: {  	s0 =	sadd.s32 @!p0 $0x100000, s0;
	[bflag:$0x2] =	sbarrier.arrive $0xFFFF  }
0x1a6: {  	[sflag:s0] =	ssyncadd.tile.s32 @!p0 $0x1;
	_ =	shalt  }
.Lfunc_end2:
_tile_overlayer_lowered:
.L_overlay_start_2:
0x1a7: {  	(tag) =	ssettag $0x2  }
0x1a8: {  	s0 =	rddreg [dreg:$0x0];
	s2 =	stileid.u32  }
0x1a9: {  	s1 =	rddreg [dreg:$0x1];
	p0 =	sne.s32 s2, $0x0  }
0x1aa: {  	s3 =	rddreg [dreg:$0x2];
	[bflag:$0x3] =	sbarrier.arrive $0xFFFF;
	s2 =	simm.s32 @!p0 $0x1C01  }
0x1ab: {  	[timem:s3], [sflag:s2] =	dma.local @!p0 [hbm:s0], s1  }
0x1ac: {  	s0 =	simm.s32 @!p0 $0x1  }
0x1ad: {  	_ =	swait.ge @!p0 [sflag:s0], s1  }
0x1ae: {  	s1 =	ssub.s32 @!p0 $0x0, s1;
	[sflag:s0] =	ssyncset.done @!p0 $0x0  }
0x1af: {  	[sflag:s0] =	ssyncadd.s32 @!p0 s1  }
0x1b0: {  	[bflag:$0x3] =	sbarrier.arrive $0xFFFF  }
0x1b1: {  	_ =	shalt  }

</sc_bundles>
